<compile_context>
chip_gen: v7x
topology: tpu7x:2x2x1
jax: 0.10.2.dev20260603
libtpu: 0.0.44.dev20260713+nightly
codegen_flags: <defaults>
</compile_context>

<pallas_src>
import functools

import jax
import jax.numpy as jnp
from jax import lax
from jax.experimental import pallas as pl
from jax.experimental.pallas import tpu as pltpu
from jax.experimental.pallas import tpu_sc as plsc

_BATCH = 16384
_DIM = 128
_NUM_CORES = 2
_NUM_SUBCORES = 16
_NW = _NUM_CORES * _NUM_SUBCORES
_B_SC = 14336
_CHUNK = _B_SC // _NW
_S = 112
_NSUB = _CHUNK // _S
_LANES = 16

_mesh = plsc.VectorSubcoreMesh(core_axis_name="c", subcore_axis_name="s")


@functools.partial(
    pl.kernel,
    out_type=jax.ShapeDtypeStruct((_NW, _LANES), jnp.float32),
    mesh=_mesh,
    scratch_types=[
        pltpu.VMEM((_CHUNK,), jnp.int32),
        pltpu.VMEM((4, _S, _DIM), jnp.float32),
        pltpu.VMEM((_LANES,), jnp.float32),
        [pltpu.SemaphoreType.DMA] * 4,
        [pltpu.SemaphoreType.DMA] * 4,
    ],
)
def _center_loss_partials(x_hbm, labels_hbm, neg_centers_hbm, out_hbm,
                          idx_v, xc_v, acc_v, sems_x, sems_a):
    wid = lax.axis_index("s") * _NUM_CORES + lax.axis_index("c")
    base = wid * _CHUNK
    pltpu.sync_copy(labels_hbm.at[pl.ds(base, _CHUNK)], idx_v)

    def start_x(h):
        b = h % 4
        return pltpu.async_copy(
            x_hbm.at[pl.ds(base + h * _S, _S)], xc_v.at[b], sems_x[b])

    def start_add(h):
        b = h % 4
        return pltpu.async_copy(
            neg_centers_hbm.at[idx_v.at[pl.ds(h * _S, _S)]], xc_v.at[b],
            sems_a[b], add=True)

    cp_x = [None, None, None, None]
    cp_a = [None, None, None, None]
    cp_x[0] = start_x(0)
    cp_x[1] = start_x(1)
    cp_x[0].wait()
    cp_a[0] = start_add(0)
    cp_x[2] = start_x(2)
    cp_x[3] = start_x(3)

    acc = jnp.zeros((_LANES,), jnp.float32)
    for h in range(_NSUB):
        b = h % 4
        cp_a[b].wait()
        if h + 1 < _NSUB:
            cp_x[(h + 1) % 4].wait()
            cp_a[(h + 1) % 4] = start_add(h + 1)

        def row_body(r, a):
            for j in range(_DIM // _LANES):
                d = xc_v[b, r, pl.ds(j * _LANES, _LANES)]
                a = a + d * d
            return a

        acc = lax.fori_loop(0, _S, row_body, acc)

    acc_v[...] = acc
    pltpu.sync_copy(acc_v, out_hbm.at[wid])


def kernel(x, labels, centers):
    partials = _center_loss_partials(x, labels, -centers)
    c_tc = jnp.take(centers, labels[_B_SC:], axis=0)
    tc_part = jnp.sum(jnp.square(x[_B_SC:] - c_tc))
    return (jnp.sum(partials) + tc_part) * (0.5 / _BATCH)

# --- scband reference (transcript-rebuilt; emitter-appended) ---
"""Pipeline reference for scband-center-loss-7009386627592 (READ-ONLY COPY).

The authoritative reference and input builder live on the scoring server;
editing this copy changes nothing except your own understanding.
"""

import jax, jax.numpy as jnp
import numpy as np

NUM_CLASSES = 1000
FEAT_DIM = 128
BATCH = 16384


def setup_inputs(seed: int = 0) -> dict:
    key = jax.random.key(seed)
    k1, k2, k3 = jax.random.split(key, 3)
    x = jax.random.normal(k1, (BATCH, FEAT_DIM), dtype=jnp.float32)
    labels = jax.random.randint(k2, (BATCH,), 0, NUM_CLASSES, dtype=jnp.int32)
    # learned parameter: class centers, randn-initialized as in the torch module
    centers = jax.random.normal(k3, (NUM_CLASSES, FEAT_DIM), dtype=jnp.float32)
    return {"x": x, "labels": labels, "centers": centers}


def reference(x, labels, centers):
    batch_size = x.shape[0]
    features = x.reshape(batch_size, -1)
    # gather per-sample class centers (SparseCore-style gather)
    centers_batch = jnp.take(centers, labels, axis=0)
    center_loss = jnp.sum(jnp.square(features - centers_batch)) / 2.0 / batch_size
    # NOTE: the torch module also performs an in-place, no-grad update of
    # self.centers AFTER computing the loss; that side effect does not affect
    # the returned forward output, which is only center_loss.
    return center_loss

if __name__ == "__main__":
    import jax
    _d = setup_inputs()
    print(jax.jit(kernel)(*tuple(_d.values())))

</pallas_src>

<mosaic_0001>
#map = affine_map<(d0, d1) -> (0, 0)>
#map1 = affine_map<(d0, d1) -> (0)>
module attributes {stable_mosaic.version = 14 : i64} {
  func.func @_center_loss_partials(%arg0: i32, %arg1: i32, %arg2: memref<16384x128xf32, #tpu.memory_space<hbm>>, %arg3: memref<16384xi32, #tpu.memory_space<hbm>>, %arg4: memref<1000x128xf32, #tpu.memory_space<hbm>>, %arg5: memref<32x16xf32, #tpu.memory_space<hbm>>, %arg6: memref<448xi32, #tpu.memory_space<vmem>>, %arg7: memref<4x112x128xf32, #tpu.memory_space<vmem>>, %arg8: memref<16xf32, #tpu.memory_space<vmem>>, %arg9: memref<!tpu.dma_semaphore, #tpu.memory_space<semaphore_mem>>, %arg10: memref<!tpu.dma_semaphore, #tpu.memory_space<semaphore_mem>>, %arg11: memref<!tpu.dma_semaphore, #tpu.memory_space<semaphore_mem>>, %arg12: memref<!tpu.dma_semaphore, #tpu.memory_space<semaphore_mem>>, %arg13: memref<!tpu.dma_semaphore, #tpu.memory_space<semaphore_mem>>, %arg14: memref<!tpu.dma_semaphore, #tpu.memory_space<semaphore_mem>>, %arg15: memref<!tpu.dma_semaphore, #tpu.memory_space<semaphore_mem>>, %arg16: memref<!tpu.dma_semaphore, #tpu.memory_space<semaphore_mem>>) attributes {dimension_semantics = [#tpu.dimension_semantics<core_parallel>, #tpu.dimension_semantics<subcore_parallel>], iteration_bounds = array<i64: 2, 16>, scalar_prefetch = 0 : i64, scratch_operands = 11 : i64, tpu.core_type = #tpu.core_type<sc_vector_subcore>, window_params = [{transform_indices = #map}, {transform_indices = #map1}, {transform_indices = #map}, {transform_indices = #map}]} {
    %mul3A = arith.constant 2 : i32
    %mul3A_0 = arith.muli %arg1, %mul3A : i32
    %add3A = arith.addi %mul3A_0, %arg0 : i32
    %mul3A_1 = arith.constant 448 : i32
    %mul3A_2 = arith.muli %add3A, %mul3A_1 : i32
    "tpu.region"() ({
      %run_scoped3A = tpu.sem_alloc : memref<!tpu.dma_semaphore, #tpu.memory_space<semaphore_mem>>
      %dma_start3A_220 = tpu.memref_slice %arg3[%mul3A_2] : memref<16384xi32, #tpu.memory_space<hbm>> -> memref<448xi32, #tpu.memory_space<hbm>>
      %dma_start3A_221 = tpu.memref_slice %arg3[%mul3A_2] : memref<16384xi32, #tpu.memory_space<hbm>> -> memref<448xi32, #tpu.memory_space<hbm>>
      tpu.enqueue_dma source(%dma_start3A_221 : memref<448xi32, #tpu.memory_space<hbm>>) target(%arg6 : memref<448xi32, #tpu.memory_space<vmem>>) target_semaphore(%run_scoped3A : memref<!tpu.dma_semaphore, #tpu.memory_space<semaphore_mem>>)
      %dma_wait3A_222 = tpu.memref_slice %arg3[%mul3A_2] : memref<16384xi32, #tpu.memory_space<hbm>> -> memref<448xi32, #tpu.memory_space<hbm>>
      %dma_wait3A_223 = tpu.memref_slice %arg3[%mul3A_2] : memref<16384xi32, #tpu.memory_space<hbm>> -> memref<448xi32, #tpu.memory_space<hbm>>
      tpu.wait_dma2 semaphore(%run_scoped3A : memref<!tpu.dma_semaphore, #tpu.memory_space<semaphore_mem>>) src(%dma_wait3A_223 : memref<448xi32, #tpu.memory_space<hbm>>) dst(%arg6 : memref<448xi32, #tpu.memory_space<vmem>>)
      tpu.yield
    }) : () -> ()
    %add3A_3 = arith.constant 0 : i32
    %add3A_4 = arith.addi %mul3A_2, %add3A_3 : i32
    %dma_start3A = arith.constant 0 : i32
    %dma_start3A_5 = arith.constant 0 : i32
    %dma_start3A_6 = arith.constant 0 : i32
    %dma_start3A_7 = tpu.memref_slice %arg7[%dma_start3A, %dma_start3A_5, %dma_start3A_6] : memref<4x112x128xf32, #tpu.memory_space<vmem>> -> memref<1x112x128xf32, #tpu.memory_space<vmem>>
    %dma_start3A_8 = tpu.memref_squeeze %dma_start3A_7 : memref<1x112x128xf32, #tpu.memory_space<vmem>> -> memref<112x128xf32, #tpu.memory_space<vmem>>
    %dma_start3A_9 = arith.constant 0 : i32
    %dma_start3A_10 = tpu.memref_slice %arg2[%add3A_4, %dma_start3A_9] : memref<16384x128xf32, #tpu.memory_space<hbm>> -> memref<112x128xf32, #tpu.memory_space<hbm>>
    %dma_start3A_11 = arith.constant 0 : i32
    %dma_start3A_12 = arith.constant 0 : i32
    %dma_start3A_13 = tpu.memref_slice %arg7[%dma_start3A, %dma_start3A_11, %dma_start3A_12] : memref<4x112x128xf32, #tpu.memory_space<vmem>> -> memref<1x112x128xf32, #tpu.memory_space<vmem>>
    %dma_start3A_14 = tpu.memref_squeeze %dma_start3A_13 : memref<1x112x128xf32, #tpu.memory_space<vmem>> -> memref<112x128xf32, #tpu.memory_space<vmem>>
    %dma_start3A_15 = arith.constant 0 : i32
    %dma_start3A_16 = tpu.memref_slice %arg2[%add3A_4, %dma_start3A_15] : memref<16384x128xf32, #tpu.memory_space<hbm>> -> memref<112x128xf32, #tpu.memory_space<hbm>>
    tpu.enqueue_dma source(%dma_start3A_16 : memref<112x128xf32, #tpu.memory_space<hbm>>) target(%dma_start3A_14 : memref<112x128xf32, #tpu.memory_space<vmem>>) target_semaphore(%arg9 : memref<!tpu.dma_semaphore, #tpu.memory_space<semaphore_mem>>)
    %add3A_17 = arith.constant 112 : i32
    %add3A_18 = arith.addi %mul3A_2, %add3A_17 : i32
    %dma_start3A_19 = arith.constant 1 : i32
    %dma_start3A_20 = arith.constant 0 : i32
    %dma_start3A_21 = arith.constant 0 : i32
    %dma_start3A_22 = tpu.memref_slice %arg7[%dma_start3A_19, %dma_start3A_20, %dma_start3A_21] : memref<4x112x128xf32, #tpu.memory_space<vmem>> -> memref<1x112x128xf32, #tpu.memory_space<vmem>>
    %dma_start3A_23 = tpu.memref_squeeze %dma_start3A_22 : memref<1x112x128xf32, #tpu.memory_space<vmem>> -> memref<112x128xf32, #tpu.memory_space<vmem>>
    %dma_start3A_24 = arith.constant 0 : i32
    %dma_start3A_25 = tpu.memref_slice %arg2[%add3A_18, %dma_start3A_24] : memref<16384x128xf32, #tpu.memory_space<hbm>> -> memref<112x128xf32, #tpu.memory_space<hbm>>
    %dma_start3A_26 = arith.constant 0 : i32
    %dma_start3A_27 = arith.constant 0 : i32
    %dma_start3A_28 = tpu.memref_slice %arg7[%dma_start3A_19, %dma_start3A_26, %dma_start3A_27] : memref<4x112x128xf32, #tpu.memory_space<vmem>> -> memref<1x112x128xf32, #tpu.memory_space<vmem>>
    %dma_start3A_29 = tpu.memref_squeeze %dma_start3A_28 : memref<1x112x128xf32, #tpu.memory_space<vmem>> -> memref<112x128xf32, #tpu.memory_space<vmem>>
    %dma_start3A_30 = arith.constant 0 : i32
    %dma_start3A_31 = tpu.memref_slice %arg2[%add3A_18, %dma_start3A_30] : memref<16384x128xf32, #tpu.memory_space<hbm>> -> memref<112x128xf32, #tpu.memory_space<hbm>>
    tpu.enqueue_dma source(%dma_start3A_31 : memref<112x128xf32, #tpu.memory_space<hbm>>) target(%dma_start3A_29 : memref<112x128xf32, #tpu.memory_space<vmem>>) target_semaphore(%arg10 : memref<!tpu.dma_semaphore, #tpu.memory_space<semaphore_mem>>)
    %dma_wait3A = arith.constant 0 : i32
    %dma_wait3A_32 = arith.constant 0 : i32
    %dma_wait3A_33 = arith.constant 0 : i32
    %dma_wait3A_34 = tpu.memref_slice %arg7[%dma_wait3A, %dma_wait3A_32, %dma_wait3A_33] : memref<4x112x128xf32, #tpu.memory_space<vmem>> -> memref<1x112x128xf32, #tpu.memory_space<vmem>>
    %dma_wait3A_35 = tpu.memref_squeeze %dma_wait3A_34 : memref<1x112x128xf32, #tpu.memory_space<vmem>> -> memref<112x128xf32, #tpu.memory_space<vmem>>
    %dma_wait3A_36 = arith.constant 0 : i32
    %dma_wait3A_37 = tpu.memref_slice %arg2[%add3A_4, %dma_wait3A_36] : memref<16384x128xf32, #tpu.memory_space<hbm>> -> memref<112x128xf32, #tpu.memory_space<hbm>>
    %dma_wait3A_38 = arith.constant 0 : i32
    %dma_wait3A_39 = arith.constant 0 : i32
    %dma_wait3A_40 = tpu.memref_slice %arg7[%dma_wait3A, %dma_wait3A_38, %dma_wait3A_39] : memref<4x112x128xf32, #tpu.memory_space<vmem>> -> memref<1x112x128xf32, #tpu.memory_space<vmem>>
    %dma_wait3A_41 = tpu.memref_squeeze %dma_wait3A_40 : memref<1x112x128xf32, #tpu.memory_space<vmem>> -> memref<112x128xf32, #tpu.memory_space<vmem>>
    %dma_wait3A_42 = arith.constant 0 : i32
    %dma_wait3A_43 = tpu.memref_slice %arg2[%add3A_4, %dma_wait3A_42] : memref<16384x128xf32, #tpu.memory_space<hbm>> -> memref<112x128xf32, #tpu.memory_space<hbm>>
    tpu.wait_dma2 semaphore(%arg9 : memref<!tpu.dma_semaphore, #tpu.memory_space<semaphore_mem>>) src(%dma_wait3A_43 : memref<112x128xf32, #tpu.memory_space<hbm>>) dst(%dma_wait3A_41 : memref<112x128xf32, #tpu.memory_space<vmem>>)
    %dma_start3A_44 = arith.constant 0 : i32
    %dma_start3A_45 = arith.constant 0 : i32
    %dma_start3A_46 = arith.constant 0 : i32
    %dma_start3A_47 = tpu.memref_slice %arg7[%dma_start3A_44, %dma_start3A_45, %dma_start3A_46] : memref<4x112x128xf32, #tpu.memory_space<vmem>> -> memref<1x112x128xf32, #tpu.memory_space<vmem>>
    %dma_start3A_48 = tpu.memref_squeeze %dma_start3A_47 : memref<1x112x128xf32, #tpu.memory_space<vmem>> -> memref<112x128xf32, #tpu.memory_space<vmem>>
    %dma_start3A_49 = arith.constant 0 : i32
    %dma_start3A_50 = tpu.memref_slice %arg6[%dma_start3A_49] : memref<448xi32, #tpu.memory_space<vmem>> -> memref<112xi32, #tpu.memory_space<vmem>>
    %dma_start3A_51 = arith.constant 0 : i32
    %dma_start3A_52 = arith.constant 0 : i32
    %dma_start3A_53 = tpu.memref_slice %arg4[%dma_start3A_51, %dma_start3A_52] : memref<1000x128xf32, #tpu.memory_space<hbm>> -> memref<1000x128xf32, #tpu.memory_space<hbm>>
    tpu.enqueue_indirect_dma source(%dma_start3A_53 : memref<1000x128xf32, #tpu.memory_space<hbm>>) target(%dma_start3A_48 : memref<112x128xf32, #tpu.memory_space<vmem>>) offsets(%dma_start3A_50 : memref<112xi32, #tpu.memory_space<vmem>>) semaphore(%arg13 : memref<!tpu.dma_semaphore, #tpu.memory_space<semaphore_mem>>) {add = true}
    %add3A_54 = arith.constant 224 : i32
    %add3A_55 = arith.addi %mul3A_2, %add3A_54 : i32
    %dma_start3A_56 = arith.constant 2 : i32
    %dma_start3A_57 = arith.constant 0 : i32
    %dma_start3A_58 = arith.constant 0 : i32
    %dma_start3A_59 = tpu.memref_slice %arg7[%dma_start3A_56, %dma_start3A_57, %dma_start3A_58] : memref<4x112x128xf32, #tpu.memory_space<vmem>> -> memref<1x112x128xf32, #tpu.memory_space<vmem>>
    %dma_start3A_60 = tpu.memref_squeeze %dma_start3A_59 : memref<1x112x128xf32, #tpu.memory_space<vmem>> -> memref<112x128xf32, #tpu.memory_space<vmem>>
    %dma_start3A_61 = arith.constant 0 : i32
    %dma_start3A_62 = tpu.memref_slice %arg2[%add3A_55, %dma_start3A_61] : memref<16384x128xf32, #tpu.memory_space<hbm>> -> memref<112x128xf32, #tpu.memory_space<hbm>>
    %dma_start3A_63 = arith.constant 0 : i32
    %dma_start3A_64 = arith.constant 0 : i32
    %dma_start3A_65 = tpu.memref_slice %arg7[%dma_start3A_56, %dma_start3A_63, %dma_start3A_64] : memref<4x112x128xf32, #tpu.memory_space<vmem>> -> memref<1x112x128xf32, #tpu.memory_space<vmem>>
    %dma_start3A_66 = tpu.memref_squeeze %dma_start3A_65 : memref<1x112x128xf32, #tpu.memory_space<vmem>> -> memref<112x128xf32, #tpu.memory_space<vmem>>
    %dma_start3A_67 = arith.constant 0 : i32
    %dma_start3A_68 = tpu.memref_slice %arg2[%add3A_55, %dma_start3A_67] : memref<16384x128xf32, #tpu.memory_space<hbm>> -> memref<112x128xf32, #tpu.memory_space<hbm>>
    tpu.enqueue_dma source(%dma_start3A_68 : memref<112x128xf32, #tpu.memory_space<hbm>>) target(%dma_start3A_66 : memref<112x128xf32, #tpu.memory_space<vmem>>) target_semaphore(%arg11 : memref<!tpu.dma_semaphore, #tpu.memory_space<semaphore_mem>>)
    %add3A_69 = arith.constant 336 : i32
    %add3A_70 = arith.addi %mul3A_2, %add3A_69 : i32
    %dma_start3A_71 = arith.constant 3 : i32
    %dma_start3A_72 = arith.constant 0 : i32
    %dma_start3A_73 = arith.constant 0 : i32
    %dma_start3A_74 = tpu.memref_slice %arg7[%dma_start3A_71, %dma_start3A_72, %dma_start3A_73] : memref<4x112x128xf32, #tpu.memory_space<vmem>> -> memref<1x112x128xf32, #tpu.memory_space<vmem>>
    %dma_start3A_75 = tpu.memref_squeeze %dma_start3A_74 : memref<1x112x128xf32, #tpu.memory_space<vmem>> -> memref<112x128xf32, #tpu.memory_space<vmem>>
    %dma_start3A_76 = arith.constant 0 : i32
    %dma_start3A_77 = tpu.memref_slice %arg2[%add3A_70, %dma_start3A_76] : memref<16384x128xf32, #tpu.memory_space<hbm>> -> memref<112x128xf32, #tpu.memory_space<hbm>>
    %dma_start3A_78 = arith.constant 0 : i32
    %dma_start3A_79 = arith.constant 0 : i32
    %dma_start3A_80 = tpu.memref_slice %arg7[%dma_start3A_71, %dma_start3A_78, %dma_start3A_79] : memref<4x112x128xf32, #tpu.memory_space<vmem>> -> memref<1x112x128xf32, #tpu.memory_space<vmem>>
    %dma_start3A_81 = tpu.memref_squeeze %dma_start3A_80 : memref<1x112x128xf32, #tpu.memory_space<vmem>> -> memref<112x128xf32, #tpu.memory_space<vmem>>
    %dma_start3A_82 = arith.constant 0 : i32
    %dma_start3A_83 = tpu.memref_slice %arg2[%add3A_70, %dma_start3A_82] : memref<16384x128xf32, #tpu.memory_space<hbm>> -> memref<112x128xf32, #tpu.memory_space<hbm>>
    tpu.enqueue_dma source(%dma_start3A_83 : memref<112x128xf32, #tpu.memory_space<hbm>>) target(%dma_start3A_81 : memref<112x128xf32, #tpu.memory_space<vmem>>) target_semaphore(%arg12 : memref<!tpu.dma_semaphore, #tpu.memory_space<semaphore_mem>>)
    %broadcast_in_dim3A = arith.constant 0.000000e+00 : f32
    %broadcast_in_dim3A_84 = vector.broadcast %broadcast_in_dim3A : f32 to vector<16xf32>
    %dma_wait3A_85 = arith.constant 0 : i32
    %dma_wait3A_86 = arith.constant 0 : i32
    %dma_wait3A_87 = arith.constant 0 : i32
    %dma_wait3A_88 = tpu.memref_slice %arg7[%dma_wait3A_85, %dma_wait3A_86, %dma_wait3A_87] : memref<4x112x128xf32, #tpu.memory_space<vmem>> -> memref<1x112x128xf32, #tpu.memory_space<vmem>>
    %dma_wait3A_89 = tpu.memref_squeeze %dma_wait3A_88 : memref<1x112x128xf32, #tpu.memory_space<vmem>> -> memref<112x128xf32, #tpu.memory_space<vmem>>
    %dma_wait3A_90 = arith.constant 0 : i32
    %dma_wait3A_91 = tpu.memref_slice %arg6[%dma_wait3A_90] : memref<448xi32, #tpu.memory_space<vmem>> -> memref<112xi32, #tpu.memory_space<vmem>>
    %dma_wait3A_92 = arith.constant 0 : i32
    %dma_wait3A_93 = arith.constant 0 : i32
    %dma_wait3A_94 = tpu.memref_slice %arg4[%dma_wait3A_92, %dma_wait3A_93] : memref<1000x128xf32, #tpu.memory_space<hbm>> -> memref<1000x128xf32, #tpu.memory_space<hbm>>
    tpu.wait_indirect_dma semaphore(%arg13 : memref<!tpu.dma_semaphore, #tpu.memory_space<semaphore_mem>>) src(%dma_wait3A_94 : memref<1000x128xf32, #tpu.memory_space<hbm>>) dst(%dma_wait3A_89 : memref<112x128xf32, #tpu.memory_space<vmem>>)
    %dma_wait3A_95 = arith.constant 1 : i32
    %dma_wait3A_96 = arith.constant 0 : i32
    %dma_wait3A_97 = arith.constant 0 : i32
    %dma_wait3A_98 = tpu.memref_slice %arg7[%dma_wait3A_95, %dma_wait3A_96, %dma_wait3A_97] : memref<4x112x128xf32, #tpu.memory_space<vmem>> -> memref<1x112x128xf32, #tpu.memory_space<vmem>>
    %dma_wait3A_99 = tpu.memref_squeeze %dma_wait3A_98 : memref<1x112x128xf32, #tpu.memory_space<vmem>> -> memref<112x128xf32, #tpu.memory_space<vmem>>
    %dma_wait3A_100 = arith.constant 0 : i32
    %dma_wait3A_101 = tpu.memref_slice %arg2[%add3A_18, %dma_wait3A_100] : memref<16384x128xf32, #tpu.memory_space<hbm>> -> memref<112x128xf32, #tpu.memory_space<hbm>>
    %dma_wait3A_102 = arith.constant 0 : i32
    %dma_wait3A_103 = arith.constant 0 : i32
    %dma_wait3A_104 = tpu.memref_slice %arg7[%dma_wait3A_95, %dma_wait3A_102, %dma_wait3A_103] : memref<4x112x128xf32, #tpu.memory_space<vmem>> -> memref<1x112x128xf32, #tpu.memory_space<vmem>>
    %dma_wait3A_105 = tpu.memref_squeeze %dma_wait3A_104 : memref<1x112x128xf32, #tpu.memory_space<vmem>> -> memref<112x128xf32, #tpu.memory_space<vmem>>
    %dma_wait3A_106 = arith.constant 0 : i32
    %dma_wait3A_107 = tpu.memref_slice %arg2[%add3A_18, %dma_wait3A_106] : memref<16384x128xf32, #tpu.memory_space<hbm>> -> memref<112x128xf32, #tpu.memory_space<hbm>>
    tpu.wait_dma2 semaphore(%arg10 : memref<!tpu.dma_semaphore, #tpu.memory_space<semaphore_mem>>) src(%dma_wait3A_107 : memref<112x128xf32, #tpu.memory_space<hbm>>) dst(%dma_wait3A_105 : memref<112x128xf32, #tpu.memory_space<vmem>>)
    %dma_start3A_108 = arith.constant 1 : i32
    %dma_start3A_109 = arith.constant 0 : i32
    %dma_start3A_110 = arith.constant 0 : i32
    %dma_start3A_111 = tpu.memref_slice %arg7[%dma_start3A_108, %dma_start3A_109, %dma_start3A_110] : memref<4x112x128xf32, #tpu.memory_space<vmem>> -> memref<1x112x128xf32, #tpu.memory_space<vmem>>
    %dma_start3A_112 = tpu.memref_squeeze %dma_start3A_111 : memref<1x112x128xf32, #tpu.memory_space<vmem>> -> memref<112x128xf32, #tpu.memory_space<vmem>>
    %dma_start3A_113 = arith.constant 112 : i32
    %dma_start3A_114 = tpu.memref_slice %arg6[%dma_start3A_113] : memref<448xi32, #tpu.memory_space<vmem>> -> memref<112xi32, #tpu.memory_space<vmem>>
    %dma_start3A_115 = arith.constant 0 : i32
    %dma_start3A_116 = arith.constant 0 : i32
    %dma_start3A_117 = tpu.memref_slice %arg4[%dma_start3A_115, %dma_start3A_116] : memref<1000x128xf32, #tpu.memory_space<hbm>> -> memref<1000x128xf32, #tpu.memory_space<hbm>>
    tpu.enqueue_indirect_dma source(%dma_start3A_117 : memref<1000x128xf32, #tpu.memory_space<hbm>>) target(%dma_start3A_112 : memref<112x128xf32, #tpu.memory_space<vmem>>) offsets(%dma_start3A_114 : memref<112xi32, #tpu.memory_space<vmem>>) semaphore(%arg14 : memref<!tpu.dma_semaphore, #tpu.memory_space<semaphore_mem>>) {add = true}
    %scan3A = arith.constant 0 : i32
    %scan3A_118 = arith.constant 112 : i32
    %scan3A_119 = arith.addi %scan3A, %scan3A_118 : i32
    %scan3A_120 = arith.constant 1 : i32
    %scan3A_121 = scf.for %scan3A_220 = %scan3A to %scan3A_119 step %scan3A_120 iter_args(%scan3A_221 = %broadcast_in_dim3A_84) -> (vector<16xf32>)  : i32 {
      %get3A = arith.constant 0 : i32
      %get3A_222 = arith.index_cast %get3A : i32 to index
      %get3A_223 = arith.index_cast %scan3A_220 : i32 to index
      %get3A_224 = arith.constant 0 : index
      %get3A_225 = tpu.vector_load %arg7[%get3A_222, %get3A_223, %get3A_224] {strides = array<i32>} : memref<4x112x128xf32, #tpu.memory_space<vmem>>, vector<1x1x16xf32>,
      %get3A_226 = vector.shape_cast %get3A_225 : vector<1x1x16xf32> to vector<16xf32>
      %mul3A_227 = arith.mulf %get3A_226, %get3A_226 : vector<16xf32>
      %add3A_228 = arith.addf %scan3A_221, %mul3A_227 : vector<16xf32>
      %get3A_229 = arith.constant 0 : i32
      %get3A_230 = arith.index_cast %get3A_229 : i32 to index
      %get3A_231 = arith.index_cast %scan3A_220 : i32 to index
      %get3A_232 = arith.constant 16 : index
      %get3A_233 = tpu.vector_load %arg7[%get3A_230, %get3A_231, %get3A_232] {strides = array<i32>} : memref<4x112x128xf32, #tpu.memory_space<vmem>>, vector<1x1x16xf32>,
      %get3A_234 = vector.shape_cast %get3A_233 : vector<1x1x16xf32> to vector<16xf32>
      %mul3A_235 = arith.mulf %get3A_234, %get3A_234 : vector<16xf32>
      %add3A_236 = arith.addf %add3A_228, %mul3A_235 : vector<16xf32>
      %get3A_237 = arith.constant 0 : i32
      %get3A_238 = arith.index_cast %get3A_237 : i32 to index
      %get3A_239 = arith.index_cast %scan3A_220 : i32 to index
      %get3A_240 = arith.constant 32 : index
      %get3A_241 = tpu.vector_load %arg7[%get3A_238, %get3A_239, %get3A_240] {strides = array<i32>} : memref<4x112x128xf32, #tpu.memory_space<vmem>>, vector<1x1x16xf32>,
      %get3A_242 = vector.shape_cast %get3A_241 : vector<1x1x16xf32> to vector<16xf32>
      %mul3A_243 = arith.mulf %get3A_242, %get3A_242 : vector<16xf32>
      %add3A_244 = arith.addf %add3A_236, %mul3A_243 : vector<16xf32>
      %get3A_245 = arith.constant 0 : i32
      %get3A_246 = arith.index_cast %get3A_245 : i32 to index
      %get3A_247 = arith.index_cast %scan3A_220 : i32 to index
      %get3A_248 = arith.constant 48 : index
      %get3A_249 = tpu.vector_load %arg7[%get3A_246, %get3A_247, %get3A_248] {strides = array<i32>} : memref<4x112x128xf32, #tpu.memory_space<vmem>>, vector<1x1x16xf32>,
      %get3A_250 = vector.shape_cast %get3A_249 : vector<1x1x16xf32> to vector<16xf32>
      %mul3A_251 = arith.mulf %get3A_250, %get3A_250 : vector<16xf32>
      %add3A_252 = arith.addf %add3A_244, %mul3A_251 : vector<16xf32>
      %get3A_253 = arith.constant 0 : i32
      %get3A_254 = arith.index_cast %get3A_253 : i32 to index
      %get3A_255 = arith.index_cast %scan3A_220 : i32 to index
      %get3A_256 = arith.constant 64 : index
      %get3A_257 = tpu.vector_load %arg7[%get3A_254, %get3A_255, %get3A_256] {strides = array<i32>} : memref<4x112x128xf32, #tpu.memory_space<vmem>>, vector<1x1x16xf32>,
      %get3A_258 = vector.shape_cast %get3A_257 : vector<1x1x16xf32> to vector<16xf32>
      %mul3A_259 = arith.mulf %get3A_258, %get3A_258 : vector<16xf32>
      %add3A_260 = arith.addf %add3A_252, %mul3A_259 : vector<16xf32>
      %get3A_261 = arith.constant 0 : i32
      %get3A_262 = arith.index_cast %get3A_261 : i32 to index
      %get3A_263 = arith.index_cast %scan3A_220 : i32 to index
      %get3A_264 = arith.constant 80 : index
      %get3A_265 = tpu.vector_load %arg7[%get3A_262, %get3A_263, %get3A_264] {strides = array<i32>} : memref<4x112x128xf32, #tpu.memory_space<vmem>>, vector<1x1x16xf32>,
      %get3A_266 = vector.shape_cast %get3A_265 : vector<1x1x16xf32> to vector<16xf32>
      %mul3A_267 = arith.mulf %get3A_266, %get3A_266 : vector<16xf32>
      %add3A_268 = arith.addf %add3A_260, %mul3A_267 : vector<16xf32>
      %get3A_269 = arith.constant 0 : i32
      %get3A_270 = arith.index_cast %get3A_269 : i32 to index
      %get3A_271 = arith.index_cast %scan3A_220 : i32 to index
      %get3A_272 = arith.constant 96 : index
      %get3A_273 = tpu.vector_load %arg7[%get3A_270, %get3A_271, %get3A_272] {strides = array<i32>} : memref<4x112x128xf32, #tpu.memory_space<vmem>>, vector<1x1x16xf32>,
      %get3A_274 = vector.shape_cast %get3A_273 : vector<1x1x16xf32> to vector<16xf32>
      %mul3A_275 = arith.mulf %get3A_274, %get3A_274 : vector<16xf32>
      %add3A_276 = arith.addf %add3A_268, %mul3A_275 : vector<16xf32>
      %get3A_277 = arith.constant 0 : i32
      %get3A_278 = arith.index_cast %get3A_277 : i32 to index
      %get3A_279 = arith.index_cast %scan3A_220 : i32 to index
      %get3A_280 = arith.constant 112 : index
      %get3A_281 = tpu.vector_load %arg7[%get3A_278, %get3A_279, %get3A_280] {strides = array<i32>} : memref<4x112x128xf32, #tpu.memory_space<vmem>>, vector<1x1x16xf32>,
      %get3A_282 = vector.shape_cast %get3A_281 : vector<1x1x16xf32> to vector<16xf32>
      %mul3A_283 = arith.mulf %get3A_282, %get3A_282 : vector<16xf32>
      %add3A_284 = arith.addf %add3A_276, %mul3A_283 : vector<16xf32>
      scf.yield %add3A_284 : vector<16xf32>
    }
    %scan3A_122 = arith.constant 112 : i32
    %dma_wait3A_123 = arith.constant 1 : i32
    %dma_wait3A_124 = arith.constant 0 : i32
    %dma_wait3A_125 = arith.constant 0 : i32
    %dma_wait3A_126 = tpu.memref_slice %arg7[%dma_wait3A_123, %dma_wait3A_124, %dma_wait3A_125] : memref<4x112x128xf32, #tpu.memory_space<vmem>> -> memref<1x112x128xf32, #tpu.memory_space<vmem>>
    %dma_wait3A_127 = tpu.memref_squeeze %dma_wait3A_126 : memref<1x112x128xf32, #tpu.memory_space<vmem>> -> memref<112x128xf32, #tpu.memory_space<vmem>>
    %dma_wait3A_128 = arith.constant 112 : i32
    %dma_wait3A_129 = tpu.memref_slice %arg6[%dma_wait3A_128] : memref<448xi32, #tpu.memory_space<vmem>> -> memref<112xi32, #tpu.memory_space<vmem>>
    %dma_wait3A_130 = arith.constant 0 : i32
    %dma_wait3A_131 = arith.constant 0 : i32
    %dma_wait3A_132 = tpu.memref_slice %arg4[%dma_wait3A_130, %dma_wait3A_131] : memref<1000x128xf32, #tpu.memory_space<hbm>> -> memref<1000x128xf32, #tpu.memory_space<hbm>>
    tpu.wait_indirect_dma semaphore(%arg14 : memref<!tpu.dma_semaphore, #tpu.memory_space<semaphore_mem>>) src(%dma_wait3A_132 : memref<1000x128xf32, #tpu.memory_space<hbm>>) dst(%dma_wait3A_127 : memref<112x128xf32, #tpu.memory_space<vmem>>)
    %dma_wait3A_133 = arith.constant 2 : i32
    %dma_wait3A_134 = arith.constant 0 : i32
    %dma_wait3A_135 = arith.constant 0 : i32
    %dma_wait3A_136 = tpu.memref_slice %arg7[%dma_wait3A_133, %dma_wait3A_134, %dma_wait3A_135] : memref<4x112x128xf32, #tpu.memory_space<vmem>> -> memref<1x112x128xf32, #tpu.memory_space<vmem>>
    %dma_wait3A_137 = tpu.memref_squeeze %dma_wait3A_136 : memref<1x112x128xf32, #tpu.memory_space<vmem>> -> memref<112x128xf32, #tpu.memory_space<vmem>>
    %dma_wait3A_138 = arith.constant 0 : i32
    %dma_wait3A_139 = tpu.memref_slice %arg2[%add3A_55, %dma_wait3A_138] : memref<16384x128xf32, #tpu.memory_space<hbm>> -> memref<112x128xf32, #tpu.memory_space<hbm>>
    %dma_wait3A_140 = arith.constant 0 : i32
    %dma_wait3A_141 = arith.constant 0 : i32
    %dma_wait3A_142 = tpu.memref_slice %arg7[%dma_wait3A_133, %dma_wait3A_140, %dma_wait3A_141] : memref<4x112x128xf32, #tpu.memory_space<vmem>> -> memref<1x112x128xf32, #tpu.memory_space<vmem>>
    %dma_wait3A_143 = tpu.memref_squeeze %dma_wait3A_142 : memref<1x112x128xf32, #tpu.memory_space<vmem>> -> memref<112x128xf32, #tpu.memory_space<vmem>>
    %dma_wait3A_144 = arith.constant 0 : i32
    %dma_wait3A_145 = tpu.memref_slice %arg2[%add3A_55, %dma_wait3A_144] : memref<16384x128xf32, #tpu.memory_space<hbm>> -> memref<112x128xf32, #tpu.memory_space<hbm>>
    tpu.wait_dma2 semaphore(%arg11 : memref<!tpu.dma_semaphore, #tpu.memory_space<semaphore_mem>>) src(%dma_wait3A_145 : memref<112x128xf32, #tpu.memory_space<hbm>>) dst(%dma_wait3A_143 : memref<112x128xf32, #tpu.memory_space<vmem>>)
    %dma_start3A_146 = arith.constant 2 : i32
    %dma_start3A_147 = arith.constant 0 : i32
    %dma_start3A_148 = arith.constant 0 : i32
    %dma_start3A_149 = tpu.memref_slice %arg7[%dma_start3A_146, %dma_start3A_147, %dma_start3A_148] : memref<4x112x128xf32, #tpu.memory_space<vmem>> -> memref<1x112x128xf32, #tpu.memory_space<vmem>>
    %dma_start3A_150 = tpu.memref_squeeze %dma_start3A_149 : memref<1x112x128xf32, #tpu.memory_space<vmem>> -> memref<112x128xf32, #tpu.memory_space<vmem>>
    %dma_start3A_151 = arith.constant 224 : i32
    %dma_start3A_152 = tpu.memref_slice %arg6[%dma_start3A_151] : memref<448xi32, #tpu.memory_space<vmem>> -> memref<112xi32, #tpu.memory_space<vmem>>
    %dma_start3A_153 = arith.constant 0 : i32
    %dma_start3A_154 = arith.constant 0 : i32
    %dma_start3A_155 = tpu.memref_slice %arg4[%dma_start3A_153, %dma_start3A_154] : memref<1000x128xf32, #tpu.memory_space<hbm>> -> memref<1000x128xf32, #tpu.memory_space<hbm>>
    tpu.enqueue_indirect_dma source(%dma_start3A_155 : memref<1000x128xf32, #tpu.memory_space<hbm>>) target(%dma_start3A_150 : memref<112x128xf32, #tpu.memory_space<vmem>>) offsets(%dma_start3A_152 : memref<112xi32, #tpu.memory_space<vmem>>) semaphore(%arg15 : memref<!tpu.dma_semaphore, #tpu.memory_space<semaphore_mem>>) {add = true}
    %scan3A_156 = arith.constant 0 : i32
    %scan3A_157 = arith.constant 112 : i32
    %scan3A_158 = arith.addi %scan3A_156, %scan3A_157 : i32
    %scan3A_159 = arith.constant 1 : i32
    %scan3A_160 = scf.for %scan3A_220 = %scan3A_156 to %scan3A_158 step %scan3A_159 iter_args(%scan3A_221 = %scan3A_121) -> (vector<16xf32>)  : i32 {
      %get3A = arith.constant 1 : i32
      %get3A_222 = arith.index_cast %get3A : i32 to index
      %get3A_223 = arith.index_cast %scan3A_220 : i32 to index
      %get3A_224 = arith.constant 0 : index
      %get3A_225 = tpu.vector_load %arg7[%get3A_222, %get3A_223, %get3A_224] {strides = array<i32>} : memref<4x112x128xf32, #tpu.memory_space<vmem>>, vector<1x1x16xf32>,
      %get3A_226 = vector.shape_cast %get3A_225 : vector<1x1x16xf32> to vector<16xf32>
      %mul3A_227 = arith.mulf %get3A_226, %get3A_226 : vector<16xf32>
      %add3A_228 = arith.addf %scan3A_221, %mul3A_227 : vector<16xf32>
      %get3A_229 = arith.constant 1 : i32
      %get3A_230 = arith.index_cast %get3A_229 : i32 to index
      %get3A_231 = arith.index_cast %scan3A_220 : i32 to index
      %get3A_232 = arith.constant 16 : index
      %get3A_233 = tpu.vector_load %arg7[%get3A_230, %get3A_231, %get3A_232] {strides = array<i32>} : memref<4x112x128xf32, #tpu.memory_space<vmem>>, vector<1x1x16xf32>,
      %get3A_234 = vector.shape_cast %get3A_233 : vector<1x1x16xf32> to vector<16xf32>
      %mul3A_235 = arith.mulf %get3A_234, %get3A_234 : vector<16xf32>
      %add3A_236 = arith.addf %add3A_228, %mul3A_235 : vector<16xf32>
      %get3A_237 = arith.constant 1 : i32
      %get3A_238 = arith.index_cast %get3A_237 : i32 to index
      %get3A_239 = arith.index_cast %scan3A_220 : i32 to index
      %get3A_240 = arith.constant 32 : index
      %get3A_241 = tpu.vector_load %arg7[%get3A_238, %get3A_239, %get3A_240] {strides = array<i32>} : memref<4x112x128xf32, #tpu.memory_space<vmem>>, vector<1x1x16xf32>,
      %get3A_242 = vector.shape_cast %get3A_241 : vector<1x1x16xf32> to vector<16xf32>
      %mul3A_243 = arith.mulf %get3A_242, %get3A_242 : vector<16xf32>
      %add3A_244 = arith.addf %add3A_236, %mul3A_243 : vector<16xf32>
      %get3A_245 = arith.constant 1 : i32
      %get3A_246 = arith.index_cast %get3A_245 : i32 to index
      %get3A_247 = arith.index_cast %scan3A_220 : i32 to index
      %get3A_248 = arith.constant 48 : index
      %get3A_249 = tpu.vector_load %arg7[%get3A_246, %get3A_247, %get3A_248] {strides = array<i32>} : memref<4x112x128xf32, #tpu.memory_space<vmem>>, vector<1x1x16xf32>,
      %get3A_250 = vector.shape_cast %get3A_249 : vector<1x1x16xf32> to vector<16xf32>
      %mul3A_251 = arith.mulf %get3A_250, %get3A_250 : vector<16xf32>
      %add3A_252 = arith.addf %add3A_244, %mul3A_251 : vector<16xf32>
      %get3A_253 = arith.constant 1 : i32
      %get3A_254 = arith.index_cast %get3A_253 : i32 to index
      %get3A_255 = arith.index_cast %scan3A_220 : i32 to index
      %get3A_256 = arith.constant 64 : index
      %get3A_257 = tpu.vector_load %arg7[%get3A_254, %get3A_255, %get3A_256] {strides = array<i32>} : memref<4x112x128xf32, #tpu.memory_space<vmem>>, vector<1x1x16xf32>,
      %get3A_258 = vector.shape_cast %get3A_257 : vector<1x1x16xf32> to vector<16xf32>
      %mul3A_259 = arith.mulf %get3A_258, %get3A_258 : vector<16xf32>
      %add3A_260 = arith.addf %add3A_252, %mul3A_259 : vector<16xf32>
      %get3A_261 = arith.constant 1 : i32
      %get3A_262 = arith.index_cast %get3A_261 : i32 to index
      %get3A_263 = arith.index_cast %scan3A_220 : i32 to index
      %get3A_264 = arith.constant 80 : index
      %get3A_265 = tpu.vector_load %arg7[%get3A_262, %get3A_263, %get3A_264] {strides = array<i32>} : memref<4x112x128xf32, #tpu.memory_space<vmem>>, vector<1x1x16xf32>,
      %get3A_266 = vector.shape_cast %get3A_265 : vector<1x1x16xf32> to vector<16xf32>
      %mul3A_267 = arith.mulf %get3A_266, %get3A_266 : vector<16xf32>
      %add3A_268 = arith.addf %add3A_260, %mul3A_267 : vector<16xf32>
      %get3A_269 = arith.constant 1 : i32
      %get3A_270 = arith.index_cast %get3A_269 : i32 to index
      %get3A_271 = arith.index_cast %scan3A_220 : i32 to index
      %get3A_272 = arith.constant 96 : index
      %get3A_273 = tpu.vector_load %arg7[%get3A_270, %get3A_271, %get3A_272] {strides = array<i32>} : memref<4x112x128xf32, #tpu.memory_space<vmem>>, vector<1x1x16xf32>,
      %get3A_274 = vector.shape_cast %get3A_273 : vector<1x1x16xf32> to vector<16xf32>
      %mul3A_275 = arith.mulf %get3A_274, %get3A_274 : vector<16xf32>
      %add3A_276 = arith.addf %add3A_268, %mul3A_275 : vector<16xf32>
      %get3A_277 = arith.constant 1 : i32
      %get3A_278 = arith.index_cast %get3A_277 : i32 to index
      %get3A_279 = arith.index_cast %scan3A_220 : i32 to index
      %get3A_280 = arith.constant 112 : index
      %get3A_281 = tpu.vector_load %arg7[%get3A_278, %get3A_279, %get3A_280] {strides = array<i32>} : memref<4x112x128xf32, #tpu.memory_space<vmem>>, vector<1x1x16xf32>,
      %get3A_282 = vector.shape_cast %get3A_281 : vector<1x1x16xf32> to vector<16xf32>
      %mul3A_283 = arith.mulf %get3A_282, %get3A_282 : vector<16xf32>
      %add3A_284 = arith.addf %add3A_276, %mul3A_283 : vector<16xf32>
      scf.yield %add3A_284 : vector<16xf32>
    }
    %scan3A_161 = arith.constant 112 : i32
    %dma_wait3A_162 = arith.constant 2 : i32
    %dma_wait3A_163 = arith.constant 0 : i32
    %dma_wait3A_164 = arith.constant 0 : i32
    %dma_wait3A_165 = tpu.memref_slice %arg7[%dma_wait3A_162, %dma_wait3A_163, %dma_wait3A_164] : memref<4x112x128xf32, #tpu.memory_space<vmem>> -> memref<1x112x128xf32, #tpu.memory_space<vmem>>
    %dma_wait3A_166 = tpu.memref_squeeze %dma_wait3A_165 : memref<1x112x128xf32, #tpu.memory_space<vmem>> -> memref<112x128xf32, #tpu.memory_space<vmem>>
    %dma_wait3A_167 = arith.constant 224 : i32
    %dma_wait3A_168 = tpu.memref_slice %arg6[%dma_wait3A_167] : memref<448xi32, #tpu.memory_space<vmem>> -> memref<112xi32, #tpu.memory_space<vmem>>
    %dma_wait3A_169 = arith.constant 0 : i32
    %dma_wait3A_170 = arith.constant 0 : i32
    %dma_wait3A_171 = tpu.memref_slice %arg4[%dma_wait3A_169, %dma_wait3A_170] : memref<1000x128xf32, #tpu.memory_space<hbm>> -> memref<1000x128xf32, #tpu.memory_space<hbm>>
    tpu.wait_indirect_dma semaphore(%arg15 : memref<!tpu.dma_semaphore, #tpu.memory_space<semaphore_mem>>) src(%dma_wait3A_171 : memref<1000x128xf32, #tpu.memory_space<hbm>>) dst(%dma_wait3A_166 : memref<112x128xf32, #tpu.memory_space<vmem>>)
    %dma_wait3A_172 = arith.constant 3 : i32
    %dma_wait3A_173 = arith.constant 0 : i32
    %dma_wait3A_174 = arith.constant 0 : i32
    %dma_wait3A_175 = tpu.memref_slice %arg7[%dma_wait3A_172, %dma_wait3A_173, %dma_wait3A_174] : memref<4x112x128xf32, #tpu.memory_space<vmem>> -> memref<1x112x128xf32, #tpu.memory_space<vmem>>
    %dma_wait3A_176 = tpu.memref_squeeze %dma_wait3A_175 : memref<1x112x128xf32, #tpu.memory_space<vmem>> -> memref<112x128xf32, #tpu.memory_space<vmem>>
    %dma_wait3A_177 = arith.constant 0 : i32
    %dma_wait3A_178 = tpu.memref_slice %arg2[%add3A_70, %dma_wait3A_177] : memref<16384x128xf32, #tpu.memory_space<hbm>> -> memref<112x128xf32, #tpu.memory_space<hbm>>
    %dma_wait3A_179 = arith.constant 0 : i32
    %dma_wait3A_180 = arith.constant 0 : i32
    %dma_wait3A_181 = tpu.memref_slice %arg7[%dma_wait3A_172, %dma_wait3A_179, %dma_wait3A_180] : memref<4x112x128xf32, #tpu.memory_space<vmem>> -> memref<1x112x128xf32, #tpu.memory_space<vmem>>
    %dma_wait3A_182 = tpu.memref_squeeze %dma_wait3A_181 : memref<1x112x128xf32, #tpu.memory_space<vmem>> -> memref<112x128xf32, #tpu.memory_space<vmem>>
    %dma_wait3A_183 = arith.constant 0 : i32
    %dma_wait3A_184 = tpu.memref_slice %arg2[%add3A_70, %dma_wait3A_183] : memref<16384x128xf32, #tpu.memory_space<hbm>> -> memref<112x128xf32, #tpu.memory_space<hbm>>
    tpu.wait_dma2 semaphore(%arg12 : memref<!tpu.dma_semaphore, #tpu.memory_space<semaphore_mem>>) src(%dma_wait3A_184 : memref<112x128xf32, #tpu.memory_space<hbm>>) dst(%dma_wait3A_182 : memref<112x128xf32, #tpu.memory_space<vmem>>)
    %dma_start3A_185 = arith.constant 3 : i32
    %dma_start3A_186 = arith.constant 0 : i32
    %dma_start3A_187 = arith.constant 0 : i32
    %dma_start3A_188 = tpu.memref_slice %arg7[%dma_start3A_185, %dma_start3A_186, %dma_start3A_187] : memref<4x112x128xf32, #tpu.memory_space<vmem>> -> memref<1x112x128xf32, #tpu.memory_space<vmem>>
    %dma_start3A_189 = tpu.memref_squeeze %dma_start3A_188 : memref<1x112x128xf32, #tpu.memory_space<vmem>> -> memref<112x128xf32, #tpu.memory_space<vmem>>
    %dma_start3A_190 = arith.constant 336 : i32
    %dma_start3A_191 = tpu.memref_slice %arg6[%dma_start3A_190] : memref<448xi32, #tpu.memory_space<vmem>> -> memref<112xi32, #tpu.memory_space<vmem>>
    %dma_start3A_192 = arith.constant 0 : i32
    %dma_start3A_193 = arith.constant 0 : i32
    %dma_start3A_194 = tpu.memref_slice %arg4[%dma_start3A_192, %dma_start3A_193] : memref<1000x128xf32, #tpu.memory_space<hbm>> -> memref<1000x128xf32, #tpu.memory_space<hbm>>
    tpu.enqueue_indirect_dma source(%dma_start3A_194 : memref<1000x128xf32, #tpu.memory_space<hbm>>) target(%dma_start3A_189 : memref<112x128xf32, #tpu.memory_space<vmem>>) offsets(%dma_start3A_191 : memref<112xi32, #tpu.memory_space<vmem>>) semaphore(%arg16 : memref<!tpu.dma_semaphore, #tpu.memory_space<semaphore_mem>>) {add = true}
    %scan3A_195 = arith.constant 0 : i32
    %scan3A_196 = arith.constant 112 : i32
    %scan3A_197 = arith.addi %scan3A_195, %scan3A_196 : i32
    %scan3A_198 = arith.constant 1 : i32
    %scan3A_199 = scf.for %scan3A_220 = %scan3A_195 to %scan3A_197 step %scan3A_198 iter_args(%scan3A_221 = %scan3A_160) -> (vector<16xf32>)  : i32 {
      %get3A = arith.constant 2 : i32
      %get3A_222 = arith.index_cast %get3A : i32 to index
      %get3A_223 = arith.index_cast %scan3A_220 : i32 to index
      %get3A_224 = arith.constant 0 : index
      %get3A_225 = tpu.vector_load %arg7[%get3A_222, %get3A_223, %get3A_224] {strides = array<i32>} : memref<4x112x128xf32, #tpu.memory_space<vmem>>, vector<1x1x16xf32>,
      %get3A_226 = vector.shape_cast %get3A_225 : vector<1x1x16xf32> to vector<16xf32>
      %mul3A_227 = arith.mulf %get3A_226, %get3A_226 : vector<16xf32>
      %add3A_228 = arith.addf %scan3A_221, %mul3A_227 : vector<16xf32>
      %get3A_229 = arith.constant 2 : i32
      %get3A_230 = arith.index_cast %get3A_229 : i32 to index
      %get3A_231 = arith.index_cast %scan3A_220 : i32 to index
      %get3A_232 = arith.constant 16 : index
      %get3A_233 = tpu.vector_load %arg7[%get3A_230, %get3A_231, %get3A_232] {strides = array<i32>} : memref<4x112x128xf32, #tpu.memory_space<vmem>>, vector<1x1x16xf32>,
      %get3A_234 = vector.shape_cast %get3A_233 : vector<1x1x16xf32> to vector<16xf32>
      %mul3A_235 = arith.mulf %get3A_234, %get3A_234 : vector<16xf32>
      %add3A_236 = arith.addf %add3A_228, %mul3A_235 : vector<16xf32>
      %get3A_237 = arith.constant 2 : i32
      %get3A_238 = arith.index_cast %get3A_237 : i32 to index
      %get3A_239 = arith.index_cast %scan3A_220 : i32 to index
      %get3A_240 = arith.constant 32 : index
      %get3A_241 = tpu.vector_load %arg7[%get3A_238, %get3A_239, %get3A_240] {strides = array<i32>} : memref<4x112x128xf32, #tpu.memory_space<vmem>>, vector<1x1x16xf32>,
      %get3A_242 = vector.shape_cast %get3A_241 : vector<1x1x16xf32> to vector<16xf32>
      %mul3A_243 = arith.mulf %get3A_242, %get3A_242 : vector<16xf32>
      %add3A_244 = arith.addf %add3A_236, %mul3A_243 : vector<16xf32>
      %get3A_245 = arith.constant 2 : i32
      %get3A_246 = arith.index_cast %get3A_245 : i32 to index
      %get3A_247 = arith.index_cast %scan3A_220 : i32 to index
      %get3A_248 = arith.constant 48 : index
      %get3A_249 = tpu.vector_load %arg7[%get3A_246, %get3A_247, %get3A_248] {strides = array<i32>} : memref<4x112x128xf32, #tpu.memory_space<vmem>>, vector<1x1x16xf32>,
      %get3A_250 = vector.shape_cast %get3A_249 : vector<1x1x16xf32> to vector<16xf32>
      %mul3A_251 = arith.mulf %get3A_250, %get3A_250 : vector<16xf32>
      %add3A_252 = arith.addf %add3A_244, %mul3A_251 : vector<16xf32>
      %get3A_253 = arith.constant 2 : i32
      %get3A_254 = arith.index_cast %get3A_253 : i32 to index
      %get3A_255 = arith.index_cast %scan3A_220 : i32 to index
      %get3A_256 = arith.constant 64 : index
      %get3A_257 = tpu.vector_load %arg7[%get3A_254, %get3A_255, %get3A_256] {strides = array<i32>} : memref<4x112x128xf32, #tpu.memory_space<vmem>>, vector<1x1x16xf32>,
      %get3A_258 = vector.shape_cast %get3A_257 : vector<1x1x16xf32> to vector<16xf32>
      %mul3A_259 = arith.mulf %get3A_258, %get3A_258 : vector<16xf32>
      %add3A_260 = arith.addf %add3A_252, %mul3A_259 : vector<16xf32>
      %get3A_261 = arith.constant 2 : i32
      %get3A_262 = arith.index_cast %get3A_261 : i32 to index
      %get3A_263 = arith.index_cast %scan3A_220 : i32 to index
      %get3A_264 = arith.constant 80 : index
      %get3A_265 = tpu.vector_load %arg7[%get3A_262, %get3A_263, %get3A_264] {strides = array<i32>} : memref<4x112x128xf32, #tpu.memory_space<vmem>>, vector<1x1x16xf32>,
      %get3A_266 = vector.shape_cast %get3A_265 : vector<1x1x16xf32> to vector<16xf32>
      %mul3A_267 = arith.mulf %get3A_266, %get3A_266 : vector<16xf32>
      %add3A_268 = arith.addf %add3A_260, %mul3A_267 : vector<16xf32>
      %get3A_269 = arith.constant 2 : i32
      %get3A_270 = arith.index_cast %get3A_269 : i32 to index
      %get3A_271 = arith.index_cast %scan3A_220 : i32 to index
      %get3A_272 = arith.constant 96 : index
      %get3A_273 = tpu.vector_load %arg7[%get3A_270, %get3A_271, %get3A_272] {strides = array<i32>} : memref<4x112x128xf32, #tpu.memory_space<vmem>>, vector<1x1x16xf32>,
      %get3A_274 = vector.shape_cast %get3A_273 : vector<1x1x16xf32> to vector<16xf32>
      %mul3A_275 = arith.mulf %get3A_274, %get3A_274 : vector<16xf32>
      %add3A_276 = arith.addf %add3A_268, %mul3A_275 : vector<16xf32>
      %get3A_277 = arith.constant 2 : i32
      %get3A_278 = arith.index_cast %get3A_277 : i32 to index
      %get3A_279 = arith.index_cast %scan3A_220 : i32 to index
      %get3A_280 = arith.constant 112 : index
      %get3A_281 = tpu.vector_load %arg7[%get3A_278, %get3A_279, %get3A_280] {strides = array<i32>} : memref<4x112x128xf32, #tpu.memory_space<vmem>>, vector<1x1x16xf32>,
      %get3A_282 = vector.shape_cast %get3A_281 : vector<1x1x16xf32> to vector<16xf32>
      %mul3A_283 = arith.mulf %get3A_282, %get3A_282 : vector<16xf32>
      %add3A_284 = arith.addf %add3A_276, %mul3A_283 : vector<16xf32>
      scf.yield %add3A_284 : vector<16xf32>
    }
    %scan3A_200 = arith.constant 112 : i32
    %dma_wait3A_201 = arith.constant 3 : i32
    %dma_wait3A_202 = arith.constant 0 : i32
    %dma_wait3A_203 = arith.constant 0 : i32
    %dma_wait3A_204 = tpu.memref_slice %arg7[%dma_wait3A_201, %dma_wait3A_202, %dma_wait3A_203] : memref<4x112x128xf32, #tpu.memory_space<vmem>> -> memref<1x112x128xf32, #tpu.memory_space<vmem>>
    %dma_wait3A_205 = tpu.memref_squeeze %dma_wait3A_204 : memref<1x112x128xf32, #tpu.memory_space<vmem>> -> memref<112x128xf32, #tpu.memory_space<vmem>>
    %dma_wait3A_206 = arith.constant 336 : i32
    %dma_wait3A_207 = tpu.memref_slice %arg6[%dma_wait3A_206] : memref<448xi32, #tpu.memory_space<vmem>> -> memref<112xi32, #tpu.memory_space<vmem>>
    %dma_wait3A_208 = arith.constant 0 : i32
    %dma_wait3A_209 = arith.constant 0 : i32
    %dma_wait3A_210 = tpu.memref_slice %arg4[%dma_wait3A_208, %dma_wait3A_209] : memref<1000x128xf32, #tpu.memory_space<hbm>> -> memref<1000x128xf32, #tpu.memory_space<hbm>>
    tpu.wait_indirect_dma semaphore(%arg16 : memref<!tpu.dma_semaphore, #tpu.memory_space<semaphore_mem>>) src(%dma_wait3A_210 : memref<1000x128xf32, #tpu.memory_space<hbm>>) dst(%dma_wait3A_205 : memref<112x128xf32, #tpu.memory_space<vmem>>)
    %scan3A_211 = arith.constant 0 : i32
    %scan3A_212 = arith.constant 112 : i32
    %scan3A_213 = arith.addi %scan3A_211, %scan3A_212 : i32
    %scan3A_214 = arith.constant 1 : i32
    %scan3A_215 = scf.for %scan3A_220 = %scan3A_211 to %scan3A_213 step %scan3A_214 iter_args(%scan3A_221 = %scan3A_199) -> (vector<16xf32>)  : i32 {
      %get3A = arith.constant 3 : i32
      %get3A_222 = arith.index_cast %get3A : i32 to index
      %get3A_223 = arith.index_cast %scan3A_220 : i32 to index
      %get3A_224 = arith.constant 0 : index
      %get3A_225 = tpu.vector_load %arg7[%get3A_222, %get3A_223, %get3A_224] {strides = array<i32>} : memref<4x112x128xf32, #tpu.memory_space<vmem>>, vector<1x1x16xf32>,
      %get3A_226 = vector.shape_cast %get3A_225 : vector<1x1x16xf32> to vector<16xf32>
      %mul3A_227 = arith.mulf %get3A_226, %get3A_226 : vector<16xf32>
      %add3A_228 = arith.addf %scan3A_221, %mul3A_227 : vector<16xf32>
      %get3A_229 = arith.constant 3 : i32
      %get3A_230 = arith.index_cast %get3A_229 : i32 to index
      %get3A_231 = arith.index_cast %scan3A_220 : i32 to index
      %get3A_232 = arith.constant 16 : index
      %get3A_233 = tpu.vector_load %arg7[%get3A_230, %get3A_231, %get3A_232] {strides = array<i32>} : memref<4x112x128xf32, #tpu.memory_space<vmem>>, vector<1x1x16xf32>,
      %get3A_234 = vector.shape_cast %get3A_233 : vector<1x1x16xf32> to vector<16xf32>
      %mul3A_235 = arith.mulf %get3A_234, %get3A_234 : vector<16xf32>
      %add3A_236 = arith.addf %add3A_228, %mul3A_235 : vector<16xf32>
      %get3A_237 = arith.constant 3 : i32
      %get3A_238 = arith.index_cast %get3A_237 : i32 to index
      %get3A_239 = arith.index_cast %scan3A_220 : i32 to index
      %get3A_240 = arith.constant 32 : index
      %get3A_241 = tpu.vector_load %arg7[%get3A_238, %get3A_239, %get3A_240] {strides = array<i32>} : memref<4x112x128xf32, #tpu.memory_space<vmem>>, vector<1x1x16xf32>,
      %get3A_242 = vector.shape_cast %get3A_241 : vector<1x1x16xf32> to vector<16xf32>
      %mul3A_243 = arith.mulf %get3A_242, %get3A_242 : vector<16xf32>
      %add3A_244 = arith.addf %add3A_236, %mul3A_243 : vector<16xf32>
      %get3A_245 = arith.constant 3 : i32
      %get3A_246 = arith.index_cast %get3A_245 : i32 to index
      %get3A_247 = arith.index_cast %scan3A_220 : i32 to index
      %get3A_248 = arith.constant 48 : index
      %get3A_249 = tpu.vector_load %arg7[%get3A_246, %get3A_247, %get3A_248] {strides = array<i32>} : memref<4x112x128xf32, #tpu.memory_space<vmem>>, vector<1x1x16xf32>,
      %get3A_250 = vector.shape_cast %get3A_249 : vector<1x1x16xf32> to vector<16xf32>
      %mul3A_251 = arith.mulf %get3A_250, %get3A_250 : vector<16xf32>
      %add3A_252 = arith.addf %add3A_244, %mul3A_251 : vector<16xf32>
      %get3A_253 = arith.constant 3 : i32
      %get3A_254 = arith.index_cast %get3A_253 : i32 to index
      %get3A_255 = arith.index_cast %scan3A_220 : i32 to index
      %get3A_256 = arith.constant 64 : index
      %get3A_257 = tpu.vector_load %arg7[%get3A_254, %get3A_255, %get3A_256] {strides = array<i32>} : memref<4x112x128xf32, #tpu.memory_space<vmem>>, vector<1x1x16xf32>,
      %get3A_258 = vector.shape_cast %get3A_257 : vector<1x1x16xf32> to vector<16xf32>
      %mul3A_259 = arith.mulf %get3A_258, %get3A_258 : vector<16xf32>
      %add3A_260 = arith.addf %add3A_252, %mul3A_259 : vector<16xf32>
      %get3A_261 = arith.constant 3 : i32
      %get3A_262 = arith.index_cast %get3A_261 : i32 to index
      %get3A_263 = arith.index_cast %scan3A_220 : i32 to index
      %get3A_264 = arith.constant 80 : index
      %get3A_265 = tpu.vector_load %arg7[%get3A_262, %get3A_263, %get3A_264] {strides = array<i32>} : memref<4x112x128xf32, #tpu.memory_space<vmem>>, vector<1x1x16xf32>,
      %get3A_266 = vector.shape_cast %get3A_265 : vector<1x1x16xf32> to vector<16xf32>
      %mul3A_267 = arith.mulf %get3A_266, %get3A_266 : vector<16xf32>
      %add3A_268 = arith.addf %add3A_260, %mul3A_267 : vector<16xf32>
      %get3A_269 = arith.constant 3 : i32
      %get3A_270 = arith.index_cast %get3A_269 : i32 to index
      %get3A_271 = arith.index_cast %scan3A_220 : i32 to index
      %get3A_272 = arith.constant 96 : index
      %get3A_273 = tpu.vector_load %arg7[%get3A_270, %get3A_271, %get3A_272] {strides = array<i32>} : memref<4x112x128xf32, #tpu.memory_space<vmem>>, vector<1x1x16xf32>,
      %get3A_274 = vector.shape_cast %get3A_273 : vector<1x1x16xf32> to vector<16xf32>
      %mul3A_275 = arith.mulf %get3A_274, %get3A_274 : vector<16xf32>
      %add3A_276 = arith.addf %add3A_268, %mul3A_275 : vector<16xf32>
      %get3A_277 = arith.constant 3 : i32
      %get3A_278 = arith.index_cast %get3A_277 : i32 to index
      %get3A_279 = arith.index_cast %scan3A_220 : i32 to index
      %get3A_280 = arith.constant 112 : index
      %get3A_281 = tpu.vector_load %arg7[%get3A_278, %get3A_279, %get3A_280] {strides = array<i32>} : memref<4x112x128xf32, #tpu.memory_space<vmem>>, vector<1x1x16xf32>,
      %get3A_282 = vector.shape_cast %get3A_281 : vector<1x1x16xf32> to vector<16xf32>
      %mul3A_283 = arith.mulf %get3A_282, %get3A_282 : vector<16xf32>
      %add3A_284 = arith.addf %add3A_276, %mul3A_283 : vector<16xf32>
      scf.yield %add3A_284 : vector<16xf32>
    }
    %scan3A_216 = arith.constant 112 : i32
    %swap3A = arith.constant 0 : index
    %swap3A_217 = tpu.vector_load %arg8[%swap3A] {strides = array<i32>} : memref<16xf32, #tpu.memory_space<vmem>>, vector<16xf32>,
    %swap3A_218 = vector.shape_cast %swap3A_217 : vector<16xf32> to vector<16xf32>
    %swap3A_219 = vector.shape_cast %scan3A_215 : vector<16xf32> to vector<16xf32>
    tpu.vector_store %arg8[%swap3A], %swap3A_219 {strides = array<i32>} : memref<16xf32, #tpu.memory_space<vmem>>, vector<16xf32>,
    "tpu.region"() ({
      %run_scoped3A = tpu.sem_alloc : memref<!tpu.dma_semaphore, #tpu.memory_space<semaphore_mem>>
      %dma_start3A_220 = arith.constant 0 : i32
      %dma_start3A_221 = tpu.memref_slice %arg5[%add3A, %dma_start3A_220] : memref<32x16xf32, #tpu.memory_space<hbm>> -> memref<1x16xf32, #tpu.memory_space<hbm>>
      %dma_start3A_222 = tpu.memref_squeeze %dma_start3A_221 : memref<1x16xf32, #tpu.memory_space<hbm>> -> memref<16xf32, #tpu.memory_space<hbm>>
      %dma_start3A_223 = arith.constant 0 : i32
      %dma_start3A_224 = tpu.memref_slice %arg5[%add3A, %dma_start3A_223] : memref<32x16xf32, #tpu.memory_space<hbm>> -> memref<1x16xf32, #tpu.memory_space<hbm>>
      %dma_start3A_225 = tpu.memref_squeeze %dma_start3A_224 : memref<1x16xf32, #tpu.memory_space<hbm>> -> memref<16xf32, #tpu.memory_space<hbm>>
      tpu.enqueue_dma source(%arg8 : memref<16xf32, #tpu.memory_space<vmem>>) target(%dma_start3A_225 : memref<16xf32, #tpu.memory_space<hbm>>) target_semaphore(%run_scoped3A : memref<!tpu.dma_semaphore, #tpu.memory_space<semaphore_mem>>)
      %dma_wait3A_226 = arith.constant 0 : i32
      %dma_wait3A_227 = tpu.memref_slice %arg5[%add3A, %dma_wait3A_226] : memref<32x16xf32, #tpu.memory_space<hbm>> -> memref<1x16xf32, #tpu.memory_space<hbm>>
      %dma_wait3A_228 = tpu.memref_squeeze %dma_wait3A_227 : memref<1x16xf32, #tpu.memory_space<hbm>> -> memref<16xf32, #tpu.memory_space<hbm>>
      %dma_wait3A_229 = arith.constant 0 : i32
      %dma_wait3A_230 = tpu.memref_slice %arg5[%add3A, %dma_wait3A_229] : memref<32x16xf32, #tpu.memory_space<hbm>> -> memref<1x16xf32, #tpu.memory_space<hbm>>
      %dma_wait3A_231 = tpu.memref_squeeze %dma_wait3A_230 : memref<1x16xf32, #tpu.memory_space<hbm>> -> memref<16xf32, #tpu.memory_space<hbm>>
      tpu.wait_dma2 semaphore(%run_scoped3A : memref<!tpu.dma_semaphore, #tpu.memory_space<semaphore_mem>>) src(%arg8 : memref<16xf32, #tpu.memory_space<vmem>>) dst(%dma_wait3A_231 : memref<16xf32, #tpu.memory_space<hbm>>)
      tpu.yield
    }) : () -> ()
    return
  }
}

</mosaic_0001>

<sc_bundles>
// kernel: kernel.3.cloned.1.call-start
scs
__scs_entry_jumppad:
0x0: {  	(pc) =	sbr.rel $0x88, $3  }
0x1: {  	(tag) =	ssettag $0x0;
	lr =	simm.s32 $0x1  }
0x2: {  	[smem:$0x3F9E] =	sst lr;
	_ =	strace $0xD0000000  }
0x3: {  	_ = 	snop  }
0x4: {  	_ = 	snop  }
0x5: {  	_ = 	snop  }
0x6: {  	_ = 	snop  }
0x7: {  	_ = 	snop  }
__scs_overlays_trampoline_lowered:
0x8: {  	[smem:$0x3FAD] =	sst s0  }
0x9: {  	[smem:$0x3FAE] =	sst s1  }
0xa: {  	[smem:$0x3FAF] =	sst s2  }
0xb: {  	[smem:$0x3FB0] =	sst s3  }
0xc: {  	[smem:$0x3FB1] =	sst s4  }
0xd: {  	[smem:$0x3FB2] =	sst s5  }
0xe: {  	[smem:$0x3FB3] =	sst s6  }
0xf: {  	[smem:$0x3FB4] =	sst s7  }
0x10: {  	[smem:$0x3FB5] =	sst s8  }
0x11: {  	[smem:$0x3FB6] =	sst s9;
	s0 =	simm.s32 @!p0 $0x0  }
0x12: {  	s1 =	sld [smem:$0x3F9C];
	s0 =	simm.s32 @p0 $0x1  }
0x13: {  	[smem:$0x3FB7] =	sst s0;
	s0 =	simm.s32 @!p1 $0x0  }
0x14: {  	s2 =	sld [smem:$0x3F9B];
	s0 =	simm.s32 @p1 $0x1  }
0x15: {  	[smem:$0x3FB8] =	sst s0;
	s0 =	simm.s32 @!p2 $0x0  }
0x16: {  	s3 =	sld [smem:$0x3FDB];
	s0 =	simm.s32 @p2 $0x1  }
0x17: {  	s4 =	simm.s32 $0x1BF5;
	[smem:$0x3FBA] =	sst s0  }
0x18: {  	s0 =	sld [smem:$0x3F9D];
	_ =	swait.ge [sflag:s4], $0x0  }
0x19: {  	s7 =	sld [smem:$0x3F9E]  }
0x1a: {  	s8 =	sadd.s32 $0xFFFFE003, lr  }
0x1b: {  	s9 =	sadd.s32 $0xFFFFFEF7, lr;
	s5 =	simm.s32 $0xFFFFFFFF;
	p2 =	slt.u32 s8, $0xFFFFF086  }
0x1c: {  	p1 =	slt.u32 s9, $0xF7A;
	s5 =	simm.s32 @!p2 $0x0  }
0x1d: {  	s5 =	simm.s32 @p1 $0x1;
	p0 =	seq.s32 s7, s2  }
0x1e: {  	s7 =	smul.u32 @!p0 $0xF7A, s2;
	p2 =	seq.s32 @!p0 s5, $0x0  }
0x1f: {  	s9 =	smul.u32 $0xF7A, s1;
	s8 =	simm.s32 @!p0 $0x1BF5;
	p2 =	por !p2, p0  }
0x20: {  	[sflag:s8] =	ssyncset.s32 @!p0 $0xFFFFF086;
	s6 =	sadd.s32 @!p0 s3, s7;
	s7 =	simm.s32 @!p0 $0x108  }
0x21: {  	s3 =	sadd.s32 s3, s9;
	s6 =	sadd.s32 @!p0 $0x88, s6;
	s7 =	simm.s32 @p2 $0x1082  }
0x22: {  	[simem:s7], [sflag:s8] =	dma.local @!p0 [hbm:s6], $0xF7A  }
0x23: {  	s9 =	sor.u32 $0xD0000000, s2;
	s6 =	simm.s32 $0x108;
	_ =	swait.ge @!p0 [sflag:s8], $0x0  }
0x24: {  	s3 =	sadd.s32 $0x88, s3;
	s6 =	simm.s32 @!p1 $0x1082;
	[sflag:s4] =	ssyncset.s32 $0xFFFFF086  }
0x25: {  	[simem:s6], [sflag:s4] =	dma.local [hbm:s3], $0xF7A  }
0x26: {  	[smem:$0x3F9E] =	sst s1;
	(tag) =	ssettag s2;
	_ =	strace s9  }
0x27: {  	s1 =	sld [smem:$0x3FAE]  }
0x28: {  	s2 =	sld [smem:$0x3FAF]  }
0x29: {  	s4 =	sld [smem:$0x3FB1]  }
0x2a: {  	p0 =	seq.s32 s5, $0x0;
	s5 =	sld [smem:$0x3FB2]  }
0x2b: {  	s6 =	sld [smem:$0x3FB3]  }
0x2c: {  	s7 =	sld [smem:$0x3FB4]  }
0x2d: {  	s3 =	simm.s32 $0x108;
	s8 =	sld [smem:$0x3FB5]  }
0x2e: {  	s3 =	simm.s32 @!p0 $0x1082;
	s9 =	sld [smem:$0x3FB6]  }
0x2f: {  	lr =	sadd.s32 s0, s3;
	s0 =	sld [smem:$0x3FAD]  }
0x30: {  	s3 =	sld [smem:$0x3FB0]  }
0x31: {  	[smem:$0x3FB9] =	sst s10  }
0x32: {  	s10 =	sld [smem:$0x3FB7];
	_ =	sdelay $0x3  }
0x33: {  	p0 =	seq.s32 s10, $0x1;
	s10 =	sld [smem:$0x3FB9];
	_ =	sdelay $0x3  }
0x34: {  	[smem:$0x3FB9] =	sst s10  }
0x35: {  	s10 =	sld [smem:$0x3FB8];
	_ =	sdelay $0x3  }
0x36: {  	p1 =	seq.s32 s10, $0x1;
	s10 =	sld [smem:$0x3FB9];
	_ =	sdelay $0x3  }
0x37: {  	[smem:$0x3FB9] =	sst s10  }
0x38: {  	s10 =	sld [smem:$0x3FBA]  }
0x39: {  	_ = 	snop;
	(pc) =	sbr.ind lr, $3  }
0x3a: {  	_ = 	snop  }
0x3b: {  	_ = 	snop  }
0x3c: {  	p2 =	seq.s32 s10, $0x1;
	s10 =	sld [smem:$0x3FB9]  }
0x3d: {  	_ =	shalt  }
0x3e: {  	_ =	shalt  }
0x3f: {  	_ =	shalt  }
0x40: {  	_ =	shalt  }
0x41: {  	_ =	shalt  }
0x42: {  	_ =	shalt  }
0x43: {  	_ =	shalt  }
0x44: {  	_ =	shalt  }
0x45: {  	_ =	shalt  }
0x46: {  	_ =	shalt  }
0x47: {  	_ =	shalt  }
0x48: {  	_ =	shalt  }
0x49: {  	_ =	shalt  }
0x4a: {  	_ =	shalt  }
0x4b: {  	_ =	shalt  }
0x4c: {  	_ =	shalt  }
0x4d: {  	_ =	shalt  }
0x4e: {  	_ =	shalt  }
0x4f: {  	_ =	shalt  }
0x50: {  	_ =	shalt  }
0x51: {  	_ =	shalt  }
0x52: {  	_ =	shalt  }
0x53: {  	_ =	shalt  }
0x54: {  	_ =	shalt  }
0x55: {  	_ =	shalt  }
0x56: {  	_ =	shalt  }
0x57: {  	_ =	shalt  }
0x58: {  	_ =	shalt  }
0x59: {  	_ =	shalt  }
0x5a: {  	_ =	shalt  }
0x5b: {  	_ =	shalt  }
0x5c: {  	_ =	shalt  }
0x5d: {  	_ =	shalt  }
0x5e: {  	_ =	shalt  }
0x5f: {  	_ =	shalt  }
0x60: {  	_ =	shalt  }
0x61: {  	_ =	shalt  }
0x62: {  	_ =	shalt  }
0x63: {  	_ =	shalt  }
0x64: {  	_ =	shalt  }
0x65: {  	_ =	shalt  }
0x66: {  	_ =	shalt  }
0x67: {  	_ =	shalt  }
0x68: {  	_ =	shalt  }
0x69: {  	_ =	shalt  }
0x6a: {  	_ =	shalt  }
0x6b: {  	_ =	shalt  }
0x6c: {  	_ =	shalt  }
0x6d: {  	_ =	shalt  }
0x6e: {  	_ =	shalt  }
0x6f: {  	_ =	shalt  }
0x70: {  	_ =	shalt  }
0x71: {  	_ =	shalt  }
0x72: {  	_ =	shalt  }
0x73: {  	_ =	shalt  }
0x74: {  	_ =	shalt  }
0x75: {  	_ =	shalt  }
0x76: {  	_ =	shalt  }
0x77: {  	_ =	shalt  }
0x78: {  	_ =	shalt  }
0x79: {  	_ =	shalt  }
0x7a: {  	_ =	shalt  }
0x7b: {  	_ =	shalt  }
0x7c: {  	_ =	shalt  }
0x7d: {  	_ =	shalt  }
0x7e: {  	_ =	shalt  }
0x7f: {  	_ =	shalt  }
0x80: {  	_ =	shalt  }
0x81: {  	_ =	shalt  }
0x82: {  	_ =	shalt  }
0x83: {  	_ =	shalt  }
0x84: {  	_ =	shalt  }
0x85: {  	_ =	shalt  }
0x86: {  	_ =	shalt  }
0x87: {  	_ =	shalt  }
.Lfunc_end0:
.L_simem_size_0:
called_computation_lowered:
.L_overlay_start_0:
0x88: {  	s2 =	sld [smem:$0x3FD9]  }
0x89: {  	s3 =	sld [smem:$0x3FFE];
	_ =	sdelay $0x1  }
0x8a: {  	s1 =	srdreg.scid  }
0x8b: {  	s0 =	sand.u32 $0x1, s1  }
0x8c: {  	s17 =	sshll.u32 s0, $0xA;
	s2 =	sadd.s32 s3, s2  }
0x8d: {  	s2 =	sadd.s32 s2, s17  }
0x8e: {  	[smem:$0x3FC5] =	sst s2  }
0x8f: {  	_ = 	snop  }
0x90: {  	s2 =	sld [smem:$0x3FC9]  }
0x91: {  	s18 =	sld [smem:$0x3FC8];
	(tm) =	ssettm $0x1  }
0x92: {  	s4 =	sld [smem:$0x3FFB];
	_ =	sdelay $0x3  }
0x93: {  	_ =	strace s4  }
0x94: {  	s4 =	sld [smem:$0x3FFC];
	_ =	sdelay $0x3  }
0x95: {  	_ =	strace s4  }
0x96: {  	s4 =	sld [smem:$0x3FFD];
	_ =	sdelay $0x3  }
0x97: {  	_ =	strace s4  }
0x98: {  	_ =	strace $0x8FFFFFFF  }
0x99: {  	s19 =	sld [smem:$0x3FDB];
	_ =	sdelay $0x1  }
0x9a: {  	s5 =	simm.s32 $_scs_section_size  }
0x9b: {  	s6 =	simm.s32 $_size__tile_overlayer_lowered;
	s7 =	simm.s32 $_tile_overlayer_lowered  }
0x9c: {  	s22 =	simm.s32 $0x1BFF;
	s21 =	sshll.u32 s7, $0x1;
	s4 =	sadd.s32 s5, s19  }
0x9d: {  	s8 =	simm.s32 $0x0;
	s20 =	sshll.u32 s6, $0x1;
	s6 =	sadd.s32 s21, s4  }
0x9e: {  	[timem:s8], [sflag:s22] =	dma.local [hbm:s6], s20  }
0x9f: {  	_ =	swait.ge [sflag:s22], s20  }
0xa0: {  	s5 =	ssub.s32 $0x0, s20;
	[sflag:s22] =	ssyncset.done $0x0  }
0xa1: {  	[sflag:s22] =	ssyncadd.s32 s5;
	_ =	sdelay $0x1  }
0xa2: {  	s23 =	simm.s32 $0x1B8B  }
0xa3: {  	_ =	swait.ge [sflag:s23], $0x1  }
0xa4: {  	[sflag:s23] =	ssyncset.done $0x0  }
0xa5: {  	s25 =	simm.s32 $0x1B8E;
	s24 =	sld [smem:$0x3FFE];
	[sflag:s23] =	ssyncadd.s32 $0xFFFFFFFF  }
0xa6: {  	s26 =	simm.s32 $execute0_lowered;
	[smem:$0x3FD2] =	sst s25  }
0xa7: {  	s6 =	sshll.u32 s26, $0x1;
	_ =	strace $0x80000046;
	[dreg:$0x1] =	wrdreg $0xFFFFFFFF  }
0xa8: {  	s28 =	simm.s32 $_size_execute0_lowered;
	s4 =	sadd.s32 s4, s6;
	[dreg:$0x0] =	wrdreg $0x0  }
0xa9: {  	s6 =	sshll.u32 s28, $0x1;
	[dreg:$0x2] =	wrdreg s4  }
0xaa: {  	[dreg:$0x3] =	wrdreg s6  }
0xab: {  	[dreg:$0x4] =	wrdreg $0xC0  }
0xac: {  	_ =	task [dreg:s8], $0x5FFFF  }
0xad: {  	[dreg:$0x1] =	wrdreg $0xFFFFFFFF  }
0xae: {  	[dreg:$0x0] =	wrdreg $0x60  }
0xaf: {  	[dreg:$0x2] =	wrdreg s2  }
0xb0: {  	[dreg:$0x3] =	wrdreg s18  }
0xb1: {  	[dreg:$0x4] =	wrdreg s24  }
0xb2: {  	[dreg:$0x5] =	wrdreg $0x9  }
0xb3: {  	_ =	task.clear_ibuf [dreg:s8], $0x6FFFF;
	_ =	strace $0x90000046  }
0xb4: {  	s29 =	simm.s32 $0x9;
	_ =	strace $0x80000048  }
0xb5: {  	_ =	swait.ge [sflag:s29], $0x1  }
0xb6: {  	[sflag:s29] =	ssyncadd.s32 $0xFFFFFFFF  }
0xb7: {  	_ =	strace $0x90000048  }
0xb8: {  	_ =	sfence  }
0xb9: {  	s30 =	sld [smem:$0x0];
	_ =	sdelay $0x2  }
0xba: {  	s31 =	sshll.u32 s1, $0xD;
	s1 =	sshrl.u32 s1, $0x2  }
0xbb: {  	s3 =	sand.u32 $0x4000, s31;
	s1 =	sadd.s32 s1, s30  }
0xbc: {  	s0 =	sor.u32 s3, s0;
	s1 =	sshll.u32 s1, $0x11  }
0xbd: {  	s0 =	sor.u32 s1, s0  }
0xbe: {  	s0 =	sadd.s32 $0x8F2B, s0  }
0xbf: {  	[sflag:s0] =	ssyncadd.remote.s32 $0x1  }
0xc0: {  	_ =	sfence.sel $0xFFFF  }
0xc1: {  	[dreg:$0x0] =	wrdreg $0xFFFFFFFF;
	(pc) =	sbr.abs _section_cstart, $3  }
0xc2: {  	[dreg:$0x1] =	wrdreg $0xFFFFFFFF  }
0xc3: {  	_ =	task.clear_ibuf [dreg:s8], $0x2FFFF;
	_ =	strace $0x9FFFFFFF  }
0xc4: {  	(tm) =	ssettm $0x7FFFFFFF  }
0xc5: {  	_ =	shalt  }
tec
execute0_lowered:
.L_overlay_start_1:
0x0: {  	(tag) =	ssettag $0x1  }
0x1: {  	s5 =	rddreg [dreg:$0x0]  }
0x2: {  	s4 =	rddreg [dreg:$0x1]  }
0x3: {  	s2 =	rddreg [dreg:$0x2]  }
0x4: {  	s0 =	rddreg [dreg:$0x3];
	s6 =	srdreg.scid  }
0x5: {  	s1 =	stileid.u32;
	s3 =	simm.s32 $0x0;
	s12 =	simm.s32 $0x200  }
0x6: {  	s13 =	simm.s32 $0x3A00;
	s14 =	simm.s32 $0x1;
	s15 =	simm.s32 $0x70  }
0x7: {  	s16 =	simm.s32 $0x7200;
	s17 =	simm.s32 $0xAA00;
	s18 =	simm.s32 $0x5  }
0x8: {  	s19 =	simm.s32 $0x2;
	s20 =	simm.s32 $0x6;
	s21 =	simm.s32 $0x3  }
0x9: {  	s22 =	simm.s32 $0xE0;
	s23 =	simm.s32 $0x7;
	s24 =	simm.s32 $0x4  }
0xa: {  	s25 =	simm.s32 $0x150;
	s6 =	sand.u32 $0x1, s6;
	s7 =	sshll.u32 s1, $0x1  }
0xb: {  	s26 =	simm.s32 $0x8;
	s28 =	simm.s32 $0xE200;
	s7 =	sor.u32 s6, s7  }
0xc: {  	s29 =	simm.s32 $0x0;
	[smem:$0x7FF] =	sst s3;
	s9 =	smul.u32 $0xE000, s7  }
0xd: {  	_ =	strace $0x80000047;
	s6 =	ssub.s32 $0x2, s6;
	s30 =	smul.u32 $0x38, s7  }
0xe: {  	s8 =	sshll.u32 s7, $0x4;
	s11 =	sshrl.u32 s6, $0x1;
	s7 =	smul.u32 $0x1C00, s7  }
0xf: {  	s10 =	sadd.s32 s8, s2;
	s11 =	ssub.s32 s6, s11;
	s9 =	sshrl.u32 s9, $0x3  }
0x10: {  	s4 =	sadd.s32 s4, s30;
	s31 =	sadd.s32 s5, s9;
	s5 =	sadd.s32 s5, s7  }
0x11: {  	s9 =	sadd.s32 $0x4000, s10;
	s10 =	smax.u32 s11, $0x1;
	s11 =	simm.s32 $0x9  }
0x12: {  	s6 =	sadd.s32 $0x700, s31;
	s7 =	sadd.s32 $0xE00, s31;
	s8 =	sadd.s32 $0x1500, s31  }
.LBB2_1:
0x13: {  	[tilespmem:s3], [sflag:$0x9] =	stream.linear.gather [hbm4b:s4+s3], $0x1C0, $0x38;
	[tilespmem:$0xE280] =	vst v63  }
0x14: {  	_ =	swait.ge [sflag:s11], $0x1C0  }
0x15: {  	[sflag:s11] =	ssyncset.done $0x0  }
0x16: {  	[sflag:s11] =	ssyncadd.s32 $0xFFFFFE40  }
0x17: {  	[tilespmem:s12], [sflag:$0x1] =	stream.linear.gather [hbm4b:s5+s3], $0x3800, $0x38;
	[tilespmem:$0xE280] =	vst v63  }
0x18: {  	_ = 	snop  }
0x19: {  	[tilespmem:s13], [sflag:$0x2] =	stream.linear.gather [hbm4b:s6+s3], $0x3800, $0x38;
	[tilespmem:$0xE280] =	vst v63  }
0x1a: {  	_ =	swait.ge [sflag:s14], $0x3800  }
0x1b: {  	[sflag:s14] =	ssyncset.done $0x0  }
0x1c: {  	[sflag:s14] =	ssyncadd.s32 $0xFFFFC800  }
0x1d: {  	[tilespmem:s12], [sflag:$0x5] =	stream.indirect.gather.add.f32 [hbm:s2], $0x80, s3, s15, $0xb8;
	[tilespmem:$0xE280] =	vst v63  }
0x1e: {  	_ = 	snop  }
0x1f: {  	[tilespmem:s16], [sflag:$0x3] =	stream.linear.gather [hbm4b:s7+s3], $0x3800, $0x38;
	[tilespmem:$0xE280] =	vst v63  }
0x20: {  	_ = 	snop  }
0x21: {  	[tilespmem:s17], [sflag:$0x4] =	stream.linear.gather [hbm4b:s8+s3], $0x3800, $0x38;
	[tilespmem:$0xE280] =	vst v63  }
0x22: {  	_ =	swait.ge [sflag:s18], $0x3800  }
0x23: {  	[sflag:s18] =	ssyncset.done $0x0  }
0x24: {  	[sflag:s18] =	ssyncadd.s32 $0xFFFFC800  }
0x25: {  	_ =	swait.ge [sflag:s19], $0x3800  }
0x26: {  	[sflag:s19] =	ssyncset.done $0x0  }
0x27: {  	s30 =	simm.s32 $0x0;
	[sflag:s19] =	ssyncadd.s32 $0xFFFFC800  }
0x28: {  	[tilespmem:s13], [sflag:$0x6] =	stream.indirect.gather.add.f32 [hbm:s2], $0x80, s15, s15, $0xb8;
	[tilespmem:$0xE280] =	vst v63  }
0x29: {  	v0 =	vld [tilespmem:s30+$0x200];
	_ =	sdelay $0x1  }
0x2a: {  	v1 =	vld [tilespmem:s30+$0x210];
	_ =	sdelay $0x1  }
0x2b: {  	v2 =	vld [tilespmem:s30+$0x220]  }
0x2c: {  	v0 =	vmul.f32 v0, v0  }
0x2d: {  	v3 =	vimm.f32 $0.0e+00;
	v4 =	vld [tilespmem:s30+$0x230]  }
0x2e: {  	v1 =	vmul.f32 v1, v1;
	v0 =	vadd.f32 v0, v3;
	_ =	sdelay $0x1  }
0x2f: {  	v3 =	vld [tilespmem:s30+$0x240];
	v0 =	vadd.f32 v1, v0;
	v1 =	vmul.f32 v2, v2;
	_ =	sdelay $0x1  }
0x30: {  	v5 =	vld [tilespmem:s30+$0x250];
	v0 =	vadd.f32 v1, v0;
	v1 =	vmul.f32 v4, v4;
	_ =	sdelay $0x1  }
0x31: {  	v2 =	vadd.f32 v1, v0;
	v1 =	vld [tilespmem:s30+$0x260]  }
0x32: {  	v3 =	vmul.f32 v3, v3  }
0x33: {  	v0 =	vld [tilespmem:s30+$0x270]  }
0x34: {  	s31 =	simm.s32 $0x400;
	s30 =	simm.s32 $0x80;
	v2 =	vadd.f32 v3, v2;
	v3 =	vmul.f32 v5, v5  }
.LBB2_2:
0x35: {  	p0 =	sne.s32 s31, $0xDE00;
	v4 =	vld [tilespmem:s30+$0x200]  }
0x36: {  	v2 =	vadd.f32 v3, v2;
	v1 =	vmul.f32 v1, v1  }
0x37: {  	v3 =	vld [tilespmem:s30+$0x210]  }
0x38: {  	v1 =	vadd.f32 v1, v2;
	v0 =	vmul.f32 v0, v0  }
0x39: {  	v2 =	vld [tilespmem:s30+$0x220]  }
0x3a: {  	v4 =	vmul.f32 v4, v4;
	v0 =	vadd.f32 v0, v1  }
0x3b: {  	v1 =	vld [tilespmem:s30+$0x230]  }
0x3c: {  	v0 =	vadd.f32 v4, v0;
	v3 =	vmul.f32 v3, v3  }
0x3d: {  	v4 =	vld [tilespmem:s30+$0x240]  }
0x3e: {  	v0 =	vadd.f32 v3, v0;
	v2 =	vmul.f32 v2, v2  }
0x3f: {  	v3 =	vld [tilespmem:s30+$0x250]  }
.Ltmp0:
0x40: {  	v0 =	vadd.f32 v2, v0;
	v2 =	vmul.f32 v1, v1;
	(pc) =	sbr.rel @p0 .LBB2_2-.Ltmp0, $4  }
0x41: {  	v1 =	vld [tilespmem:s30+$0x260]  }
0x42: {  	v2 =	vadd.f32 v2, v0;
	v4 =	vmul.f32 v4, v4  }
0x43: {  	v0 =	vld [tilespmem:s30+$0x270]  }
0x44: {  	s30 =	sshra.s32 s31, $0x2;
	s31 =	sadd.s32 $0x200, s31;
	v2 =	vadd.f32 v4, v2;
	v3 =	vmul.f32 v3, v3  }
0x45: {  	v4 =	vld [tilespmem:s30+$0x200]  }
0x46: {  	v2 =	vadd.f32 v3, v2;
	v1 =	vmul.f32 v1, v1  }
0x47: {  	v3 =	vld [tilespmem:s30+$0x210]  }
0x48: {  	v1 =	vadd.f32 v1, v2;
	v0 =	vmul.f32 v0, v0  }
0x49: {  	v5 =	vld [tilespmem:s30+$0x220]  }
0x4a: {  	v6 =	vld [tilespmem:s30+$0x240];
	v4 =	vmul.f32 v4, v4;
	v0 =	vadd.f32 v0, v1  }
0x4b: {  	v2 =	vld [tilespmem:s30+$0x230]  }
0x4c: {  	v7 =	vld [tilespmem:s30+$0x260];
	v3 =	vmul.f32 v3, v3;
	v0 =	vadd.f32 v4, v0  }
0x4d: {  	v1 =	vld [tilespmem:s30+$0x250]  }
0x4e: {  	v4 =	vld [tilespmem:s30+$0x270];
	_ =	swait.ge [sflag:s20], $0x3800;
	v0 =	vadd.f32 v3, v0;
	v3 =	vmul.f32 v5, v5  }
0x4f: {  	[sflag:s20] =	ssyncset.done $0x0  }
0x50: {  	v2 =	vmul.f32 v2, v2;
	[sflag:s20] =	ssyncadd.s32 $0xFFFFC800;
	v0 =	vadd.f32 v3, v0  }
0x51: {  	_ =	swait.ge [sflag:s21], $0x3800  }
0x52: {  	[sflag:s21] =	ssyncset.done $0x0;
	v0 =	vadd.f32 v2, v0;
	v2 =	vmul.f32 v6, v6  }
0x53: {  	s30 =	simm.s32 $0x0;
	[sflag:s21] =	ssyncadd.s32 $0xFFFFC800  }
0x54: {  	v1 =	vmul.f32 v1, v1;
	[tilespmem:s16], [sflag:$0x7] =	stream.indirect.gather.add.f32 [hbm:s2], $0x80, s22, s15, $0xb8;
	v0 =	vadd.f32 v2, v0;
	[tilespmem:$0xE280] =	vst v63  }
0x55: {  	v2 =	vld [tilespmem:s30+$0x3A00]  }
0x56: {  	v0 =	vadd.f32 v1, v0;
	v1 =	vmul.f32 v7, v7  }
0x57: {  	v3 =	vld [tilespmem:s30+$0x3A10]  }
0x58: {  	v0 =	vadd.f32 v1, v0;
	v1 =	vmul.f32 v4, v4  }
0x59: {  	v4 =	vld [tilespmem:s30+$0x3A20]  }
0x5a: {  	v0 =	vadd.f32 v1, v0;
	v1 =	vmul.f32 v2, v2  }
0x5b: {  	v2 =	vld [tilespmem:s30+$0x3A30]  }
0x5c: {  	v0 =	vadd.f32 v1, v0;
	v1 =	vmul.f32 v3, v3;
	_ =	sdelay $0x1  }
0x5d: {  	v3 =	vld [tilespmem:s30+$0x3A40];
	v0 =	vadd.f32 v1, v0;
	v1 =	vmul.f32 v4, v4;
	_ =	sdelay $0x1  }
0x5e: {  	v4 =	vld [tilespmem:s30+$0x3A50];
	v0 =	vadd.f32 v1, v0;
	v1 =	vmul.f32 v2, v2;
	_ =	sdelay $0x1  }
0x5f: {  	v2 =	vadd.f32 v1, v0;
	v1 =	vld [tilespmem:s30+$0x3A60]  }
0x60: {  	v3 =	vmul.f32 v3, v3  }
0x61: {  	v0 =	vld [tilespmem:s30+$0x3A70]  }
0x62: {  	s31 =	simm.s32 $0x400;
	s30 =	simm.s32 $0x80;
	v2 =	vadd.f32 v3, v2;
	v3 =	vmul.f32 v4, v4  }
.LBB2_4:
0x63: {  	p0 =	sne.s32 s31, $0xDE00;
	v4 =	vld [tilespmem:s30+$0x3A00]  }
0x64: {  	v2 =	vadd.f32 v3, v2;
	v1 =	vmul.f32 v1, v1  }
0x65: {  	v3 =	vld [tilespmem:s30+$0x3A10]  }
0x66: {  	v1 =	vadd.f32 v1, v2;
	v0 =	vmul.f32 v0, v0  }
0x67: {  	v2 =	vld [tilespmem:s30+$0x3A20]  }
0x68: {  	v4 =	vmul.f32 v4, v4;
	v0 =	vadd.f32 v0, v1  }
0x69: {  	v1 =	vld [tilespmem:s30+$0x3A30]  }
0x6a: {  	v0 =	vadd.f32 v4, v0;
	v3 =	vmul.f32 v3, v3  }
0x6b: {  	v4 =	vld [tilespmem:s30+$0x3A40]  }
0x6c: {  	v0 =	vadd.f32 v3, v0;
	v2 =	vmul.f32 v2, v2  }
0x6d: {  	v3 =	vld [tilespmem:s30+$0x3A50]  }
.Ltmp1:
0x6e: {  	v0 =	vadd.f32 v2, v0;
	v2 =	vmul.f32 v1, v1;
	(pc) =	sbr.rel @p0 .LBB2_4-.Ltmp1, $4  }
0x6f: {  	v1 =	vld [tilespmem:s30+$0x3A60]  }
0x70: {  	v2 =	vadd.f32 v2, v0;
	v4 =	vmul.f32 v4, v4  }
0x71: {  	v0 =	vld [tilespmem:s30+$0x3A70]  }
0x72: {  	s30 =	sshra.s32 s31, $0x2;
	s31 =	sadd.s32 $0x200, s31;
	v2 =	vadd.f32 v4, v2;
	v3 =	vmul.f32 v3, v3  }
0x73: {  	v4 =	vld [tilespmem:s30+$0x3A00]  }
0x74: {  	v2 =	vadd.f32 v3, v2;
	v1 =	vmul.f32 v1, v1  }
0x75: {  	v3 =	vld [tilespmem:s30+$0x3A10]  }
0x76: {  	v1 =	vadd.f32 v1, v2;
	v0 =	vmul.f32 v0, v0  }
0x77: {  	v5 =	vld [tilespmem:s30+$0x3A20]  }
0x78: {  	v6 =	vld [tilespmem:s30+$0x3A40];
	v4 =	vmul.f32 v4, v4;
	v0 =	vadd.f32 v0, v1  }
0x79: {  	v2 =	vld [tilespmem:s30+$0x3A30]  }
0x7a: {  	v7 =	vld [tilespmem:s30+$0x3A60];
	v3 =	vmul.f32 v3, v3;
	v0 =	vadd.f32 v4, v0  }
0x7b: {  	v1 =	vld [tilespmem:s30+$0x3A50]  }
0x7c: {  	v4 =	vld [tilespmem:s30+$0x3A70];
	_ =	swait.ge [sflag:s23], $0x3800;
	v0 =	vadd.f32 v3, v0;
	v3 =	vmul.f32 v5, v5  }
0x7d: {  	[sflag:s23] =	ssyncset.done $0x0  }
0x7e: {  	v2 =	vmul.f32 v2, v2;
	[sflag:s23] =	ssyncadd.s32 $0xFFFFC800;
	v0 =	vadd.f32 v3, v0  }
0x7f: {  	_ =	swait.ge [sflag:s24], $0x3800  }
0x80: {  	[sflag:s24] =	ssyncset.done $0x0;
	v0 =	vadd.f32 v2, v0;
	v2 =	vmul.f32 v6, v6  }
0x81: {  	s30 =	simm.s32 $0x0;
	[sflag:s24] =	ssyncadd.s32 $0xFFFFC800  }
0x82: {  	v1 =	vmul.f32 v1, v1;
	[tilespmem:s17], [sflag:$0x8] =	stream.indirect.gather.add.f32 [hbm:s2], $0x80, s25, s15, $0xb8;
	v0 =	vadd.f32 v2, v0;
	[tilespmem:$0xE280] =	vst v63  }
0x83: {  	v2 =	vld [tilespmem:s30+$0x7200]  }
0x84: {  	v0 =	vadd.f32 v1, v0;
	v1 =	vmul.f32 v7, v7  }
0x85: {  	v3 =	vld [tilespmem:s30+$0x7210]  }
0x86: {  	v0 =	vadd.f32 v1, v0;
	v1 =	vmul.f32 v4, v4  }
0x87: {  	v4 =	vld [tilespmem:s30+$0x7220]  }
0x88: {  	v0 =	vadd.f32 v1, v0;
	v1 =	vmul.f32 v2, v2  }
0x89: {  	v2 =	vld [tilespmem:s30+$0x7230]  }
0x8a: {  	v0 =	vadd.f32 v1, v0;
	v1 =	vmul.f32 v3, v3;
	_ =	sdelay $0x1  }
0x8b: {  	v3 =	vld [tilespmem:s30+$0x7240];
	v0 =	vadd.f32 v1, v0;
	v1 =	vmul.f32 v4, v4;
	_ =	sdelay $0x1  }
0x8c: {  	v4 =	vld [tilespmem:s30+$0x7250];
	v0 =	vadd.f32 v1, v0;
	v1 =	vmul.f32 v2, v2;
	_ =	sdelay $0x1  }
0x8d: {  	v2 =	vadd.f32 v1, v0;
	v1 =	vld [tilespmem:s30+$0x7260]  }
0x8e: {  	v3 =	vmul.f32 v3, v3  }
0x8f: {  	v0 =	vld [tilespmem:s30+$0x7270]  }
0x90: {  	s31 =	simm.s32 $0x400;
	s30 =	simm.s32 $0x80;
	v2 =	vadd.f32 v3, v2;
	v3 =	vmul.f32 v4, v4  }
.LBB2_6:
0x91: {  	p0 =	sne.s32 s31, $0xDE00;
	v4 =	vld [tilespmem:s30+$0x7200]  }
0x92: {  	v2 =	vadd.f32 v3, v2;
	v1 =	vmul.f32 v1, v1  }
0x93: {  	v3 =	vld [tilespmem:s30+$0x7210]  }
0x94: {  	v1 =	vadd.f32 v1, v2;
	v0 =	vmul.f32 v0, v0  }
0x95: {  	v2 =	vld [tilespmem:s30+$0x7220]  }
0x96: {  	v4 =	vmul.f32 v4, v4;
	v0 =	vadd.f32 v0, v1  }
0x97: {  	v1 =	vld [tilespmem:s30+$0x7230]  }
0x98: {  	v0 =	vadd.f32 v4, v0;
	v3 =	vmul.f32 v3, v3  }
0x99: {  	v4 =	vld [tilespmem:s30+$0x7240]  }
0x9a: {  	v0 =	vadd.f32 v3, v0;
	v2 =	vmul.f32 v2, v2  }
0x9b: {  	v3 =	vld [tilespmem:s30+$0x7250]  }
.Ltmp2:
0x9c: {  	v0 =	vadd.f32 v2, v0;
	v2 =	vmul.f32 v1, v1;
	(pc) =	sbr.rel @p0 .LBB2_6-.Ltmp2, $4  }
0x9d: {  	v1 =	vld [tilespmem:s30+$0x7260]  }
0x9e: {  	v2 =	vadd.f32 v2, v0;
	v4 =	vmul.f32 v4, v4  }
0x9f: {  	v0 =	vld [tilespmem:s30+$0x7270]  }
0xa0: {  	s30 =	sshra.s32 s31, $0x2;
	s31 =	sadd.s32 $0x200, s31;
	v2 =	vadd.f32 v4, v2;
	v3 =	vmul.f32 v3, v3  }
0xa1: {  	v4 =	vld [tilespmem:s30+$0x7200]  }
0xa2: {  	v2 =	vadd.f32 v3, v2;
	v1 =	vmul.f32 v1, v1  }
0xa3: {  	v3 =	vld [tilespmem:s30+$0x7210]  }
0xa4: {  	v1 =	vadd.f32 v1, v2;
	v0 =	vmul.f32 v0, v0  }
0xa5: {  	v2 =	vld [tilespmem:s30+$0x7220]  }
0xa6: {  	v4 =	vmul.f32 v4, v4;
	v0 =	vadd.f32 v0, v1  }
0xa7: {  	v1 =	vld [tilespmem:s30+$0x7230]  }
0xa8: {  	v3 =	vmul.f32 v3, v3;
	v0 =	vadd.f32 v4, v0  }
0xa9: {  	v4 =	vld [tilespmem:s30+$0x7240]  }
0xaa: {  	v2 =	vmul.f32 v2, v2;
	v0 =	vadd.f32 v3, v0  }
0xab: {  	v3 =	vld [tilespmem:s30+$0x7250]  }
0xac: {  	v1 =	vmul.f32 v1, v1;
	v0 =	vadd.f32 v2, v0  }
0xad: {  	v2 =	vld [tilespmem:s30+$0x7260]  }
0xae: {  	v5 =	vld [tilespmem:s30+$0x7270];
	_ =	swait.ge [sflag:s26], $0x3800;
	v0 =	vadd.f32 v1, v0;
	v1 =	vmul.f32 v4, v4  }
0xaf: {  	[sflag:s26] =	ssyncset.done $0x0  }
0xb0: {  	s30 =	simm.s32 $0x0;
	[sflag:s26] =	ssyncadd.s32 $0xFFFFC800;
	v0 =	vadd.f32 v1, v0;
	v1 =	vmul.f32 v3, v3  }
0xb1: {  	v3 =	vld [tilespmem:s30+$0xAA00]  }
0xb2: {  	v0 =	vadd.f32 v1, v0;
	v1 =	vmul.f32 v2, v2  }
0xb3: {  	v2 =	vld [tilespmem:s30+$0xAA10]  }
0xb4: {  	v0 =	vadd.f32 v1, v0;
	v1 =	vmul.f32 v5, v5  }
0xb5: {  	v4 =	vld [tilespmem:s30+$0xAA20]  }
0xb6: {  	v0 =	vadd.f32 v1, v0;
	v1 =	vmul.f32 v3, v3  }
0xb7: {  	v3 =	vld [tilespmem:s30+$0xAA30]  }
0xb8: {  	v0 =	vadd.f32 v1, v0;
	v1 =	vmul.f32 v2, v2;
	_ =	sdelay $0x1  }
0xb9: {  	v2 =	vld [tilespmem:s30+$0xAA40];
	v0 =	vadd.f32 v1, v0;
	v1 =	vmul.f32 v4, v4;
	_ =	sdelay $0x1  }
0xba: {  	v4 =	vld [tilespmem:s30+$0xAA50];
	v0 =	vadd.f32 v1, v0;
	v1 =	vmul.f32 v3, v3;
	_ =	sdelay $0x1  }
0xbb: {  	v3 =	vadd.f32 v1, v0;
	v1 =	vld [tilespmem:s30+$0xAA60]  }
0xbc: {  	v2 =	vmul.f32 v2, v2  }
0xbd: {  	v0 =	vld [tilespmem:s30+$0xAA70]  }
0xbe: {  	s31 =	simm.s32 $0x400;
	s30 =	simm.s32 $0x80;
	v2 =	vadd.f32 v2, v3;
	v3 =	vmul.f32 v4, v4  }
.LBB2_8:
0xbf: {  	p0 =	sne.s32 s31, $0xDE00;
	v4 =	vld [tilespmem:s30+$0xAA00]  }
0xc0: {  	v2 =	vadd.f32 v3, v2;
	v1 =	vmul.f32 v1, v1  }
0xc1: {  	v3 =	vld [tilespmem:s30+$0xAA10]  }
0xc2: {  	v1 =	vadd.f32 v1, v2;
	v0 =	vmul.f32 v0, v0  }
0xc3: {  	v2 =	vld [tilespmem:s30+$0xAA20]  }
0xc4: {  	v4 =	vmul.f32 v4, v4;
	v0 =	vadd.f32 v0, v1  }
0xc5: {  	v1 =	vld [tilespmem:s30+$0xAA30]  }
0xc6: {  	v0 =	vadd.f32 v4, v0;
	v3 =	vmul.f32 v3, v3  }
0xc7: {  	v4 =	vld [tilespmem:s30+$0xAA40]  }
0xc8: {  	v0 =	vadd.f32 v3, v0;
	v2 =	vmul.f32 v2, v2  }
0xc9: {  	v3 =	vld [tilespmem:s30+$0xAA50]  }
.Ltmp3:
0xca: {  	v0 =	vadd.f32 v2, v0;
	v2 =	vmul.f32 v1, v1;
	(pc) =	sbr.rel @p0 .LBB2_8-.Ltmp3, $4  }
0xcb: {  	v1 =	vld [tilespmem:s30+$0xAA60]  }
0xcc: {  	v2 =	vadd.f32 v2, v0;
	v4 =	vmul.f32 v4, v4  }
0xcd: {  	v0 =	vld [tilespmem:s30+$0xAA70]  }
0xce: {  	s30 =	sshra.s32 s31, $0x2;
	s31 =	sadd.s32 $0x200, s31;
	v2 =	vadd.f32 v4, v2;
	v3 =	vmul.f32 v3, v3  }
0xcf: {  	v4 =	vld [tilespmem:s30+$0xAA00]  }
0xd0: {  	v2 =	vadd.f32 v3, v2;
	v1 =	vmul.f32 v1, v1  }
0xd1: {  	v53 =	vld [tilespmem:s30+$0xAA10]  }
0xd2: {  	v1 =	vadd.f32 v1, v2;
	v0 =	vmul.f32 v0, v0  }
0xd3: {  	v54 =	vld [tilespmem:s30+$0xAA20]  }
0xd4: {  	v4 =	vmul.f32 v4, v4;
	v0 =	vadd.f32 v0, v1  }
0xd5: {  	v55 =	vld [tilespmem:s30+$0xAA30]  }
0xd6: {  	v3 =	vmul.f32 v53, v53;
	v0 =	vadd.f32 v4, v0  }
0xd7: {  	v56 =	vld [tilespmem:s30+$0xAA40]  }
0xd8: {  	v2 =	vmul.f32 v54, v54;
	v0 =	vadd.f32 v3, v0  }
0xd9: {  	v57 =	vld [tilespmem:s30+$0xAA50]  }
0xda: {  	v1 =	vmul.f32 v55, v55;
	v0 =	vadd.f32 v2, v0  }
0xdb: {  	v58 =	vld [tilespmem:s30+$0xAA60]  }
0xdc: {  	v59 =	vmul.f32 v56, v56;
	v0 =	vadd.f32 v1, v0  }
0xdd: {  	v60 =	vld [tilespmem:s30+$0xAA70]  }
0xde: {  	v61 =	vmul.f32 v57, v57;
	v0 =	vadd.f32 v59, v0;
	_ =	sdelay $0x1  }
0xdf: {  	v62 =	vmul.f32 v58, v58;
	v0 =	vadd.f32 v61, v0;
	_ =	sdelay $0x1  }
0xe0: {  	v63 =	vmul.f32 v60, v60;
	v0 =	vadd.f32 v62, v0;
	_ =	sdelay $0x1  }
0xe1: {  	s29 =	sadd.s32 $0x1, s29;
	v0 =	vadd.f32 v63, v0  }
0xe2: {  	p0 =	sne.s32 s29, s10  }
.Ltmp4:
0xe3: {  	[tilespmem:$0xE200] =	vst v0;
	(pc) =	sbr.rel @p0 .LBB2_1-.Ltmp4, $4  }
0xe4: {  	[hbm4b:s9+s3] =	stream.linear.scatter [tilespmem:s28], [sflag:$0x9], $0x80, $0x38;
	[tilespmem:$0xE280] =	vst v63  }
0xe5: {  	_ =	swait.ge [sflag:s11], $0x80  }
0xe6: {  	[sflag:s11] =	ssyncset.done $0x0  }
0xe7: {  	[sflag:s11] =	ssyncadd.s32 $0xFFFFFF80  }
0xe8: {  	_ =	sfence.sel $0x180000  }
0xe9: {  	[bflag:$0x0] =	sbarrier.arrive $0xFFFF  }
0xea: {  	p0 =	sne.s32 s1, $0x0;
	_ =	strace $0x90000047  }
0xeb: {  	s0 =	sadd.s32 @!p0 $0x100000, s0;
	[bflag:$0x2] =	sbarrier.arrive $0xFFFF  }
0xec: {  	[sflag:s0] =	ssyncadd.tile.s32 @!p0 $0x1;
	_ =	shalt  }
.Lfunc_end2:
_tile_overlayer_lowered:
.L_overlay_start_2:
0xed: {  	(tag) =	ssettag $0x2  }
0xee: {  	s0 =	rddreg [dreg:$0x0];
	s2 =	stileid.u32  }
0xef: {  	s1 =	rddreg [dreg:$0x1];
	p0 =	sne.s32 s2, $0x0  }
0xf0: {  	s3 =	rddreg [dreg:$0x2];
	[bflag:$0x3] =	sbarrier.arrive $0xFFFF;
	s2 =	simm.s32 @!p0 $0x1C09  }
0xf1: {  	[timem:s3], [sflag:s2] =	dma.local @!p0 [hbm:s0], s1  }
0xf2: {  	s0 =	simm.s32 @!p0 $0x9  }
0xf3: {  	_ =	swait.ge @!p0 [sflag:s0], s1  }
0xf4: {  	s1 =	ssub.s32 @!p0 $0x0, s1;
	[sflag:s0] =	ssyncset.done @!p0 $0x0  }
0xf5: {  	[sflag:s0] =	ssyncadd.s32 @!p0 s1  }
0xf6: {  	[bflag:$0x3] =	sbarrier.arrive $0xFFFF  }
0xf7: {  	_ =	shalt  }

</sc_bundles>
